<compile_context>
chip_gen: v7x
topology: tpu7x:2x2x1
jax: 0.10.2.dev20260603
libtpu: 0.0.44.dev20260713+nightly
codegen_flags: <defaults>
</compile_context>

<pallas_src>
import functools

import jax
import jax.numpy as jnp
from jax import lax
from jax.experimental import pallas as pl
from jax.experimental.pallas import tpu as pltpu
from jax.experimental.pallas import tpu_sc as plsc

NC, NS, LANES = 2, 16, 16
NW = NC * NS

WORD_DIM = 64
POS_DIM = 64
OUT_DIM = WORD_DIM + POS_DIM

IDX_MINOR = 128
K = 4
CHUNK = K * IDX_MINOR
NBUF = 2

TBLK = 16384
TH = TBLK // 2


def _transpose_pad_kernel(wt_ref, out_ref):
    t = wt_ref[...].T
    out_ref[...] = jnp.concatenate([t[:TH], t[TH:]], axis=-1)


def _half_kernel(bt, col_off, idx_hbm, tab_hbm, out_hbm,
                 idx_v, rows_v, sem_idx, sem_rows, sem_wr):
    per_tile = bt // NW
    n_chunks = per_tile // CHUNK
    wid = lax.axis_index("s") * NC + lax.axis_index("c")
    tile_row0 = wid * (per_tile // IDX_MINOR)

    def idx_copy(g, b):
        row0 = tile_row0 + g * K
        return pltpu.make_async_copy(
            idx_hbm.at[pl.ds(row0, K)], idx_v.at[b], sem_idx.at[b])

    def write_copy(g, b):
        base = (tile_row0 + g * K) * IDX_MINOR
        return pltpu.make_async_copy(
            rows_v.at[b],
            out_hbm.at[pl.ds(base, CHUNK), pl.ds(col_off, WORD_DIM)],
            sem_wr.at[b])

    def fire_gathers(b):
        copies = [
            pltpu.make_async_copy(
                tab_hbm.at[idx_v.at[b, j]],
                rows_v.at[b, pl.ds(j * IDX_MINOR, IDX_MINOR)], sem_rows)
            for j in range(K)
        ]
        for cp in copies:
            cp.start()
        return copies

    for b in range(NBUF):
        idx_copy(b, b).start()

    def body(g2, carry):
        for b in range(NBUF):
            g = NBUF * g2 + b
            idx_copy(g, b).wait()

            @pl.when(g2 > 0)
            def _():
                write_copy(g, b).wait()

            gathers = fire_gathers(b)
            for cp in gathers:
                cp.wait()

            @pl.when(g2 < n_chunks // NBUF - 1)
            def _():
                idx_copy(g + NBUF, b).start()

            write_copy(g, b).start()
        return carry

    lax.fori_loop(0, n_chunks // NBUF, body, 0)

    for b in range(NBUF):
        write_copy(n_chunks - NBUF + b, b).wait()


def kernel(word, pos, word_table, pos_table):
    b, l = word.shape
    bt = b * l
    per_tile = bt // NW
    vocab = word_table.shape[0]
    nblk = pl.cdiv(vocab, TBLK)
    wt_pad = pl.pallas_call(
        _transpose_pad_kernel,
        grid=(nblk,),
        in_specs=[pl.BlockSpec((WORD_DIM, TBLK), lambda i: (0, i))],
        out_specs=pl.BlockSpec((TH, IDX_MINOR), lambda i: (i, 0)),
        out_shape=jax.ShapeDtypeStruct((nblk * TH, IDX_MINOR), jnp.float32),
    )(word_table.T)
    wt_view = wt_pad.reshape(nblk * TBLK, WORD_DIM)
    wv = word.astype(jnp.int32)
    wj = wv % TBLK
    word_flat = ((wv // TBLK) * TBLK + (wj % TH) * 2 + wj // TH).reshape(
        bt // IDX_MINOR, IDX_MINOR)

    pos_size = pos_table.shape[0]
    ptab_rep = jnp.broadcast_to(
        pos_table[None], (NW,) + pos_table.shape).reshape(NW * pos_size,
                                                          pos_table.shape[1])
    rows_per_worker = per_tile // l
    rep_off = (jnp.arange(b, dtype=jnp.int32) // rows_per_worker) * pos_size
    pos_flat = (pos.astype(jnp.int32) + rep_off[:, None]).reshape(
        bt // IDX_MINOR, IDX_MINOR)

    mesh = plsc.VectorSubcoreMesh(core_axis_name="c", subcore_axis_name="s")
    scratch = [
        pltpu.VMEM((NBUF, K, IDX_MINOR), jnp.int32),
        pltpu.VMEM((NBUF, CHUNK, WORD_DIM), jnp.float32),
        pltpu.SemaphoreType.DMA((NBUF,)),
        pltpu.SemaphoreType.DMA,
        pltpu.SemaphoreType.DMA((NBUF,)),
    ]
    pos_out = pl.kernel(
        functools.partial(_half_kernel, bt, WORD_DIM),
        out_type=jax.ShapeDtypeStruct((bt, OUT_DIM), jnp.float32),
        mesh=mesh,
        compiler_params=pltpu.CompilerParams(use_tc_tiling_on_sc=False),
        scratch_types=scratch,
        name="pos_half",
    )(pos_flat, ptab_rep)
    out_ref = jax.new_ref(pos_out)
    pl.kernel(
        functools.partial(_half_kernel, bt, 0),
        out_type=(),
        mesh=mesh,
        compiler_params=pltpu.CompilerParams(use_tc_tiling_on_sc=False),
        scratch_types=scratch,
        name="word_half",
    )(word_flat, wt_view, out_ref)
    return out_ref[...].reshape(b, l, OUT_DIM)

# --- scband reference (transcript-rebuilt; emitter-appended) ---
"""Pipeline reference for scband-embedding-13460427506375 (READ-ONLY COPY).

The authoritative reference and input builder live on the scoring server;
editing this copy changes nothing except your own understanding.
"""

import jax, jax.numpy as jnp
import numpy as np

VOCAB_SIZE = 1000000
WORD_DIM = 64
POS_SIZE = 512
POS_DIM = 64
B, L = 4096, 200

def setup_inputs(seed: int = 0) -> dict:
    key = jax.random.key(seed)
    k1, k2, k3, k4 = jax.random.split(key, 4)
    word = jax.random.randint(k1, (B, L), 0, VOCAB_SIZE, dtype=jnp.int64 if jax.config.jax_enable_x64 else jnp.int32)
    pos = jax.random.randint(k2, (B, L), 0, POS_SIZE, dtype=jnp.int64 if jax.config.jax_enable_x64 else jnp.int32)
    word_table = jax.random.normal(k3, (VOCAB_SIZE, WORD_DIM), dtype=jnp.float32)
    pos_table = jax.random.normal(k4, (POS_SIZE, POS_DIM), dtype=jnp.float32)
    # padding_idx=0: row 0 is zeros, as in nn.Embedding(padding_idx=0)
    word_table = word_table.at[0].set(0.0)
    pos_table = pos_table.at[0].set(0.0)
    return {"word": word, "pos": pos, "word_table": word_table, "pos_table": pos_table}

def reference(word, pos, word_table, pos_table):
    word_embedding = jnp.take(word_table, word, axis=0)
    pos_embedding = jnp.take(pos_table, pos, axis=0)
    # dim_strategy == 'cat'
    return jnp.concatenate((word_embedding, pos_embedding), axis=-1)

if __name__ == "__main__":
    import jax
    _d = setup_inputs()
    print(jax.jit(kernel)(*tuple(_d.values())))

</pallas_src>

<mosaic_0001>
#map = affine_map<(d0, d1) -> (0, 0)>
module attributes {stable_mosaic.version = 14 : i64} {
  func.func @new_body(%arg0: i32, %arg1: i32, %arg2: memref<6400x128xi32, #tpu.memory_space<hbm>>, %arg3: memref<1015808x64xf32, #tpu.memory_space<hbm>>, %arg4: memref<819200x128xf32, #tpu.memory_space<hbm>>, %arg5: memref<819200x128xf32, #tpu.memory_space<hbm>>, %arg6: memref<2x4x128xi32, #tpu.memory_space<vmem>>, %arg7: memref<2x512x64xf32, #tpu.memory_space<vmem>>, %arg8: memref<2x!tpu.dma_semaphore, #tpu.memory_space<semaphore_mem>>, %arg9: memref<!tpu.dma_semaphore, #tpu.memory_space<semaphore_mem>>, %arg10: memref<2x!tpu.dma_semaphore, #tpu.memory_space<semaphore_mem>>) attributes {dimension_semantics = [#tpu.dimension_semantics<core_parallel>, #tpu.dimension_semantics<subcore_parallel>], iteration_bounds = array<i64: 2, 16>, scalar_prefetch = 0 : i64, scratch_operands = 5 : i64, tpu.core_type = #tpu.core_type<sc_vector_subcore>, window_params = [{transform_indices = #map}, {transform_indices = #map}, {transform_indices = #map}, {transform_indices = #map}]} {
    %mul3A = arith.constant 2 : i32
    %mul3A_0 = arith.muli %arg1, %mul3A : i32
    %add3A = arith.addi %mul3A_0, %arg0 : i32
    %mul3A_1 = arith.constant 200 : i32
    %mul3A_2 = arith.muli %add3A, %mul3A_1 : i32
    %add3A_3 = arith.constant 0 : i32
    %add3A_4 = arith.addi %mul3A_2, %add3A_3 : i32
    %dma_start3A = arith.constant 0 : i32
    %dma_start3A_5 = arith.constant 0 : i32
    %dma_start3A_6 = arith.constant 0 : i32
    %dma_start3A_7 = arith.constant 0 : i32
    %dma_start3A_8 = tpu.memref_slice %arg6[%dma_start3A, %dma_start3A_6, %dma_start3A_7] : memref<2x4x128xi32, #tpu.memory_space<vmem>> -> memref<1x4x128xi32, #tpu.memory_space<vmem>>
    %dma_start3A_9 = tpu.memref_squeeze %dma_start3A_8 : memref<1x4x128xi32, #tpu.memory_space<vmem>> -> memref<4x128xi32, #tpu.memory_space<vmem>>
    %dma_start3A_10 = arith.constant 0 : i32
    %dma_start3A_11 = tpu.memref_slice %arg2[%add3A_4, %dma_start3A_10] : memref<6400x128xi32, #tpu.memory_space<hbm>> -> memref<4x128xi32, #tpu.memory_space<hbm>>
    %dma_start3A_12 = tpu.memref_slice %arg8[%dma_start3A_5] : memref<2x!tpu.dma_semaphore, #tpu.memory_space<semaphore_mem>> -> memref<1x!tpu.dma_semaphore, #tpu.memory_space<semaphore_mem>>
    %dma_start3A_13 = tpu.memref_squeeze %dma_start3A_12 : memref<1x!tpu.dma_semaphore, #tpu.memory_space<semaphore_mem>> -> memref<!tpu.dma_semaphore, #tpu.memory_space<semaphore_mem>>
    %dma_start3A_14 = arith.constant 0 : i32
    %dma_start3A_15 = arith.constant 0 : i32
    %dma_start3A_16 = tpu.memref_slice %arg6[%dma_start3A, %dma_start3A_14, %dma_start3A_15] : memref<2x4x128xi32, #tpu.memory_space<vmem>> -> memref<1x4x128xi32, #tpu.memory_space<vmem>>
    %dma_start3A_17 = tpu.memref_squeeze %dma_start3A_16 : memref<1x4x128xi32, #tpu.memory_space<vmem>> -> memref<4x128xi32, #tpu.memory_space<vmem>>
    %dma_start3A_18 = arith.constant 0 : i32
    %dma_start3A_19 = tpu.memref_slice %arg2[%add3A_4, %dma_start3A_18] : memref<6400x128xi32, #tpu.memory_space<hbm>> -> memref<4x128xi32, #tpu.memory_space<hbm>>
    tpu.enqueue_dma source(%dma_start3A_19 : memref<4x128xi32, #tpu.memory_space<hbm>>) target(%dma_start3A_17 : memref<4x128xi32, #tpu.memory_space<vmem>>) target_semaphore(%dma_start3A_13 : memref<!tpu.dma_semaphore, #tpu.memory_space<semaphore_mem>>)
    %add3A_20 = arith.constant 4 : i32
    %add3A_21 = arith.addi %mul3A_2, %add3A_20 : i32
    %dma_start3A_22 = arith.constant 1 : i32
    %dma_start3A_23 = arith.constant 1 : i32
    %dma_start3A_24 = arith.constant 0 : i32
    %dma_start3A_25 = arith.constant 0 : i32
    %dma_start3A_26 = tpu.memref_slice %arg6[%dma_start3A_22, %dma_start3A_24, %dma_start3A_25] : memref<2x4x128xi32, #tpu.memory_space<vmem>> -> memref<1x4x128xi32, #tpu.memory_space<vmem>>
    %dma_start3A_27 = tpu.memref_squeeze %dma_start3A_26 : memref<1x4x128xi32, #tpu.memory_space<vmem>> -> memref<4x128xi32, #tpu.memory_space<vmem>>
    %dma_start3A_28 = arith.constant 0 : i32
    %dma_start3A_29 = tpu.memref_slice %arg2[%add3A_21, %dma_start3A_28] : memref<6400x128xi32, #tpu.memory_space<hbm>> -> memref<4x128xi32, #tpu.memory_space<hbm>>
    %dma_start3A_30 = tpu.memref_slice %arg8[%dma_start3A_23] : memref<2x!tpu.dma_semaphore, #tpu.memory_space<semaphore_mem>> -> memref<1x!tpu.dma_semaphore, #tpu.memory_space<semaphore_mem>>
    %dma_start3A_31 = tpu.memref_squeeze %dma_start3A_30 : memref<1x!tpu.dma_semaphore, #tpu.memory_space<semaphore_mem>> -> memref<!tpu.dma_semaphore, #tpu.memory_space<semaphore_mem>>
    %dma_start3A_32 = arith.constant 0 : i32
    %dma_start3A_33 = arith.constant 0 : i32
    %dma_start3A_34 = tpu.memref_slice %arg6[%dma_start3A_22, %dma_start3A_32, %dma_start3A_33] : memref<2x4x128xi32, #tpu.memory_space<vmem>> -> memref<1x4x128xi32, #tpu.memory_space<vmem>>
    %dma_start3A_35 = tpu.memref_squeeze %dma_start3A_34 : memref<1x4x128xi32, #tpu.memory_space<vmem>> -> memref<4x128xi32, #tpu.memory_space<vmem>>
    %dma_start3A_36 = arith.constant 0 : i32
    %dma_start3A_37 = tpu.memref_slice %arg2[%add3A_21, %dma_start3A_36] : memref<6400x128xi32, #tpu.memory_space<hbm>> -> memref<4x128xi32, #tpu.memory_space<hbm>>
    tpu.enqueue_dma source(%dma_start3A_37 : memref<4x128xi32, #tpu.memory_space<hbm>>) target(%dma_start3A_35 : memref<4x128xi32, #tpu.memory_space<vmem>>) target_semaphore(%dma_start3A_31 : memref<!tpu.dma_semaphore, #tpu.memory_space<semaphore_mem>>)
    %scan3A = arith.constant 0 : i32
    %scan3A_38 = arith.constant 0 : i32
    %scan3A_39 = arith.constant 25 : i32
    %scan3A_40 = arith.addi %scan3A_38, %scan3A_39 : i32
    %scan3A_41 = arith.constant 1 : i32
    scf.for %scan3A_82 = %scan3A_38 to %scan3A_40 step %scan3A_41  : i32 {
      %mul3A_83 = arith.constant 2 : i32
      %mul3A_84 = arith.muli %mul3A_83, %scan3A_82 : i32
      %add3A_85 = arith.constant 0 : i32
      %add3A_86 = arith.addi %mul3A_84, %add3A_85 : i32
      %mul3A_87 = arith.constant 4 : i32
      %mul3A_88 = arith.muli %add3A_86, %mul3A_87 : i32
      %add3A_89 = arith.addi %mul3A_2, %mul3A_88 : i32
      %dma_wait3A_90 = arith.constant 0 : i32
      %dma_wait3A_91 = arith.constant 0 : i32
      %dma_wait3A_92 = arith.constant 0 : i32
      %dma_wait3A_93 = arith.constant 0 : i32
      %dma_wait3A_94 = tpu.memref_slice %arg6[%dma_wait3A_90, %dma_wait3A_92, %dma_wait3A_93] : memref<2x4x128xi32, #tpu.memory_space<vmem>> -> memref<1x4x128xi32, #tpu.memory_space<vmem>>
      %dma_wait3A_95 = tpu.memref_squeeze %dma_wait3A_94 : memref<1x4x128xi32, #tpu.memory_space<vmem>> -> memref<4x128xi32, #tpu.memory_space<vmem>>
      %dma_wait3A_96 = arith.constant 0 : i32
      %dma_wait3A_97 = tpu.memref_slice %arg2[%add3A_89, %dma_wait3A_96] : memref<6400x128xi32, #tpu.memory_space<hbm>> -> memref<4x128xi32, #tpu.memory_space<hbm>>
      %dma_wait3A_98 = tpu.memref_slice %arg8[%dma_wait3A_91] : memref<2x!tpu.dma_semaphore, #tpu.memory_space<semaphore_mem>> -> memref<1x!tpu.dma_semaphore, #tpu.memory_space<semaphore_mem>>
      %dma_wait3A_99 = tpu.memref_squeeze %dma_wait3A_98 : memref<1x!tpu.dma_semaphore, #tpu.memory_space<semaphore_mem>> -> memref<!tpu.dma_semaphore, #tpu.memory_space<semaphore_mem>>
      %dma_wait3A_100 = arith.constant 0 : i32
      %dma_wait3A_101 = arith.constant 0 : i32
      %dma_wait3A_102 = tpu.memref_slice %arg6[%dma_wait3A_90, %dma_wait3A_100, %dma_wait3A_101] : memref<2x4x128xi32, #tpu.memory_space<vmem>> -> memref<1x4x128xi32, #tpu.memory_space<vmem>>
      %dma_wait3A_103 = tpu.memref_squeeze %dma_wait3A_102 : memref<1x4x128xi32, #tpu.memory_space<vmem>> -> memref<4x128xi32, #tpu.memory_space<vmem>>
      %dma_wait3A_104 = arith.constant 0 : i32
      %dma_wait3A_105 = tpu.memref_slice %arg2[%add3A_89, %dma_wait3A_104] : memref<6400x128xi32, #tpu.memory_space<hbm>> -> memref<4x128xi32, #tpu.memory_space<hbm>>
      tpu.wait_dma2 semaphore(%dma_wait3A_99 : memref<!tpu.dma_semaphore, #tpu.memory_space<semaphore_mem>>) src(%dma_wait3A_105 : memref<4x128xi32, #tpu.memory_space<hbm>>) dst(%dma_wait3A_103 : memref<4x128xi32, #tpu.memory_space<vmem>>)
      %gt3A = arith.constant 0 : i32
      %gt3A_106 = arith.cmpi sgt, %scan3A_82, %gt3A : i32
      %convert_element_type3A = arith.extui %gt3A_106 : i1 to i32
      %cond3A = arith.constant 0 : i32
      %cond3A_107 = arith.cmpi ne, %convert_element_type3A, %cond3A : i32
      scf.if %cond3A_107 {
        %mul3A_395 = arith.constant 4 : i32
        %mul3A_396 = arith.muli %add3A_86, %mul3A_395 : i32
        %add3A_397 = arith.addi %mul3A_2, %mul3A_396 : i32
        %mul3A_398 = arith.constant 128 : i32
        %mul3A_399 = arith.muli %add3A_397, %mul3A_398 : i32
        %dma_wait3A_400 = arith.constant 0 : i32
        %dma_wait3A_401 = arith.constant 0 : i32
        %dma_wait3A_402 = arith.constant 0 : i32
        %dma_wait3A_403 = arith.constant 0 : i32
        %dma_wait3A_404 = tpu.memref_slice %arg7[%dma_wait3A_400, %dma_wait3A_402, %dma_wait3A_403] : memref<2x512x64xf32, #tpu.memory_space<vmem>> -> memref<1x512x64xf32, #tpu.memory_space<vmem>>
        %dma_wait3A_405 = tpu.memref_squeeze %dma_wait3A_404 : memref<1x512x64xf32, #tpu.memory_space<vmem>> -> memref<512x64xf32, #tpu.memory_space<vmem>>
        %dma_wait3A_406 = arith.constant 0 : i32
        %dma_wait3A_407 = tpu.memref_slice %arg4[%mul3A_399, %dma_wait3A_406] : memref<819200x128xf32, #tpu.memory_space<hbm>> -> memref<512x64xf32, #tpu.memory_space<hbm>>
        %dma_wait3A_408 = tpu.memref_slice %arg10[%dma_wait3A_401] : memref<2x!tpu.dma_semaphore, #tpu.memory_space<semaphore_mem>> -> memref<1x!tpu.dma_semaphore, #tpu.memory_space<semaphore_mem>>
        %dma_wait3A_409 = tpu.memref_squeeze %dma_wait3A_408 : memref<1x!tpu.dma_semaphore, #tpu.memory_space<semaphore_mem>> -> memref<!tpu.dma_semaphore, #tpu.memory_space<semaphore_mem>>
        %dma_wait3A_410 = arith.constant 0 : i32
        %dma_wait3A_411 = tpu.memref_slice %arg4[%mul3A_399, %dma_wait3A_410] : memref<819200x128xf32, #tpu.memory_space<hbm>> -> memref<512x64xf32, #tpu.memory_space<hbm>>
        %dma_wait3A_412 = arith.constant 0 : i32
        %dma_wait3A_413 = arith.constant 0 : i32
        %dma_wait3A_414 = tpu.memref_slice %arg7[%dma_wait3A_400, %dma_wait3A_412, %dma_wait3A_413] : memref<2x512x64xf32, #tpu.memory_space<vmem>> -> memref<1x512x64xf32, #tpu.memory_space<vmem>>
        %dma_wait3A_415 = tpu.memref_squeeze %dma_wait3A_414 : memref<1x512x64xf32, #tpu.memory_space<vmem>> -> memref<512x64xf32, #tpu.memory_space<vmem>>
        tpu.wait_dma2 semaphore(%dma_wait3A_409 : memref<!tpu.dma_semaphore, #tpu.memory_space<semaphore_mem>>) src(%dma_wait3A_415 : memref<512x64xf32, #tpu.memory_space<vmem>>) dst(%dma_wait3A_411 : memref<512x64xf32, #tpu.memory_space<hbm>>)
      } else {
      }
      %dma_start3A_108 = arith.constant 0 : i32
      %dma_start3A_109 = arith.constant 0 : i32
      %dma_start3A_110 = arith.constant 0 : i32
      %dma_start3A_111 = arith.constant 0 : i32
      %dma_start3A_112 = arith.constant 0 : i32
      %dma_start3A_113 = tpu.memref_slice %arg7[%dma_start3A_110, %dma_start3A_111, %dma_start3A_112] : memref<2x512x64xf32, #tpu.memory_space<vmem>> -> memref<1x128x64xf32, #tpu.memory_space<vmem>>
      %dma_start3A_114 = tpu.memref_squeeze %dma_start3A_113 : memref<1x128x64xf32, #tpu.memory_space<vmem>> -> memref<128x64xf32, #tpu.memory_space<vmem>>
      %dma_start3A_115 = arith.constant 0 : i32
      %dma_start3A_116 = tpu.memref_slice %arg6[%dma_start3A_108, %dma_start3A_109, %dma_start3A_115] : memref<2x4x128xi32, #tpu.memory_space<vmem>> -> memref<1x1x128xi32, #tpu.memory_space<vmem>>
      %dma_start3A_117 = tpu.memref_squeeze %dma_start3A_116 : memref<1x1x128xi32, #tpu.memory_space<vmem>> -> memref<128xi32, #tpu.memory_space<vmem>>
      %dma_start3A_118 = arith.constant 0 : i32
      %dma_start3A_119 = arith.constant 0 : i32
      %dma_start3A_120 = tpu.memref_slice %arg3[%dma_start3A_118, %dma_start3A_119] : memref<1015808x64xf32, #tpu.memory_space<hbm>> -> memref<1015808x64xf32, #tpu.memory_space<hbm>>
      tpu.enqueue_indirect_dma source(%dma_start3A_120 : memref<1015808x64xf32, #tpu.memory_space<hbm>>) target(%dma_start3A_114 : memref<128x64xf32, #tpu.memory_space<vmem>>) offsets(%dma_start3A_117 : memref<128xi32, #tpu.memory_space<vmem>>) semaphore(%arg9 : memref<!tpu.dma_semaphore, #tpu.memory_space<semaphore_mem>>)
      %dma_start3A_121 = arith.constant 0 : i32
      %dma_start3A_122 = arith.constant 1 : i32
      %dma_start3A_123 = arith.constant 0 : i32
      %dma_start3A_124 = arith.constant 128 : i32
      %dma_start3A_125 = arith.constant 0 : i32
      %dma_start3A_126 = tpu.memref_slice %arg7[%dma_start3A_123, %dma_start3A_124, %dma_start3A_125] : memref<2x512x64xf32, #tpu.memory_space<vmem>> -> memref<1x128x64xf32, #tpu.memory_space<vmem>>
      %dma_start3A_127 = tpu.memref_squeeze %dma_start3A_126 : memref<1x128x64xf32, #tpu.memory_space<vmem>> -> memref<128x64xf32, #tpu.memory_space<vmem>>
      %dma_start3A_128 = arith.constant 0 : i32
      %dma_start3A_129 = tpu.memref_slice %arg6[%dma_start3A_121, %dma_start3A_122, %dma_start3A_128] : memref<2x4x128xi32, #tpu.memory_space<vmem>> -> memref<1x1x128xi32, #tpu.memory_space<vmem>>
      %dma_start3A_130 = tpu.memref_squeeze %dma_start3A_129 : memref<1x1x128xi32, #tpu.memory_space<vmem>> -> memref<128xi32, #tpu.memory_space<vmem>>
      %dma_start3A_131 = arith.constant 0 : i32
      %dma_start3A_132 = arith.constant 0 : i32
      %dma_start3A_133 = tpu.memref_slice %arg3[%dma_start3A_131, %dma_start3A_132] : memref<1015808x64xf32, #tpu.memory_space<hbm>> -> memref<1015808x64xf32, #tpu.memory_space<hbm>>
      tpu.enqueue_indirect_dma source(%dma_start3A_133 : memref<1015808x64xf32, #tpu.memory_space<hbm>>) target(%dma_start3A_127 : memref<128x64xf32, #tpu.memory_space<vmem>>) offsets(%dma_start3A_130 : memref<128xi32, #tpu.memory_space<vmem>>) semaphore(%arg9 : memref<!tpu.dma_semaphore, #tpu.memory_space<semaphore_mem>>)
      %dma_start3A_134 = arith.constant 0 : i32
      %dma_start3A_135 = arith.constant 2 : i32
      %dma_start3A_136 = arith.constant 0 : i32
      %dma_start3A_137 = arith.constant 256 : i32
      %dma_start3A_138 = arith.constant 0 : i32
      %dma_start3A_139 = tpu.memref_slice %arg7[%dma_start3A_136, %dma_start3A_137, %dma_start3A_138] : memref<2x512x64xf32, #tpu.memory_space<vmem>> -> memref<1x128x64xf32, #tpu.memory_space<vmem>>
      %dma_start3A_140 = tpu.memref_squeeze %dma_start3A_139 : memref<1x128x64xf32, #tpu.memory_space<vmem>> -> memref<128x64xf32, #tpu.memory_space<vmem>>
      %dma_start3A_141 = arith.constant 0 : i32
      %dma_start3A_142 = tpu.memref_slice %arg6[%dma_start3A_134, %dma_start3A_135, %dma_start3A_141] : memref<2x4x128xi32, #tpu.memory_space<vmem>> -> memref<1x1x128xi32, #tpu.memory_space<vmem>>
      %dma_start3A_143 = tpu.memref_squeeze %dma_start3A_142 : memref<1x1x128xi32, #tpu.memory_space<vmem>> -> memref<128xi32, #tpu.memory_space<vmem>>
      %dma_start3A_144 = arith.constant 0 : i32
      %dma_start3A_145 = arith.constant 0 : i32
      %dma_start3A_146 = tpu.memref_slice %arg3[%dma_start3A_144, %dma_start3A_145] : memref<1015808x64xf32, #tpu.memory_space<hbm>> -> memref<1015808x64xf32, #tpu.memory_space<hbm>>
      tpu.enqueue_indirect_dma source(%dma_start3A_146 : memref<1015808x64xf32, #tpu.memory_space<hbm>>) target(%dma_start3A_140 : memref<128x64xf32, #tpu.memory_space<vmem>>) offsets(%dma_start3A_143 : memref<128xi32, #tpu.memory_space<vmem>>) semaphore(%arg9 : memref<!tpu.dma_semaphore, #tpu.memory_space<semaphore_mem>>)
      %dma_start3A_147 = arith.constant 0 : i32
      %dma_start3A_148 = arith.constant 3 : i32
      %dma_start3A_149 = arith.constant 0 : i32
      %dma_start3A_150 = arith.constant 384 : i32
      %dma_start3A_151 = arith.constant 0 : i32
      %dma_start3A_152 = tpu.memref_slice %arg7[%dma_start3A_149, %dma_start3A_150, %dma_start3A_151] : memref<2x512x64xf32, #tpu.memory_space<vmem>> -> memref<1x128x64xf32, #tpu.memory_space<vmem>>
      %dma_start3A_153 = tpu.memref_squeeze %dma_start3A_152 : memref<1x128x64xf32, #tpu.memory_space<vmem>> -> memref<128x64xf32, #tpu.memory_space<vmem>>
      %dma_start3A_154 = arith.constant 0 : i32
      %dma_start3A_155 = tpu.memref_slice %arg6[%dma_start3A_147, %dma_start3A_148, %dma_start3A_154] : memref<2x4x128xi32, #tpu.memory_space<vmem>> -> memref<1x1x128xi32, #tpu.memory_space<vmem>>
      %dma_start3A_156 = tpu.memref_squeeze %dma_start3A_155 : memref<1x1x128xi32, #tpu.memory_space<vmem>> -> memref<128xi32, #tpu.memory_space<vmem>>
      %dma_start3A_157 = arith.constant 0 : i32
      %dma_start3A_158 = arith.constant 0 : i32
      %dma_start3A_159 = tpu.memref_slice %arg3[%dma_start3A_157, %dma_start3A_158] : memref<1015808x64xf32, #tpu.memory_space<hbm>> -> memref<1015808x64xf32, #tpu.memory_space<hbm>>
      tpu.enqueue_indirect_dma source(%dma_start3A_159 : memref<1015808x64xf32, #tpu.memory_space<hbm>>) target(%dma_start3A_153 : memref<128x64xf32, #tpu.memory_space<vmem>>) offsets(%dma_start3A_156 : memref<128xi32, #tpu.memory_space<vmem>>) semaphore(%arg9 : memref<!tpu.dma_semaphore, #tpu.memory_space<semaphore_mem>>)
      %dma_wait3A_160 = arith.constant 0 : i32
      %dma_wait3A_161 = arith.constant 0 : i32
      %dma_wait3A_162 = arith.constant 0 : i32
      %dma_wait3A_163 = arith.constant 0 : i32
      %dma_wait3A_164 = arith.constant 0 : i32
      %dma_wait3A_165 = tpu.memref_slice %arg7[%dma_wait3A_162, %dma_wait3A_163, %dma_wait3A_164] : memref<2x512x64xf32, #tpu.memory_space<vmem>> -> memref<1x128x64xf32, #tpu.memory_space<vmem>>
      %dma_wait3A_166 = tpu.memref_squeeze %dma_wait3A_165 : memref<1x128x64xf32, #tpu.memory_space<vmem>> -> memref<128x64xf32, #tpu.memory_space<vmem>>
      %dma_wait3A_167 = arith.constant 0 : i32
      %dma_wait3A_168 = tpu.memref_slice %arg6[%dma_wait3A_160, %dma_wait3A_161, %dma_wait3A_167] : memref<2x4x128xi32, #tpu.memory_space<vmem>> -> memref<1x1x128xi32, #tpu.memory_space<vmem>>
      %dma_wait3A_169 = tpu.memref_squeeze %dma_wait3A_168 : memref<1x1x128xi32, #tpu.memory_space<vmem>> -> memref<128xi32, #tpu.memory_space<vmem>>
      %dma_wait3A_170 = arith.constant 0 : i32
      %dma_wait3A_171 = arith.constant 0 : i32
      %dma_wait3A_172 = tpu.memref_slice %arg3[%dma_wait3A_170, %dma_wait3A_171] : memref<1015808x64xf32, #tpu.memory_space<hbm>> -> memref<1015808x64xf32, #tpu.memory_space<hbm>>
      tpu.wait_indirect_dma semaphore(%arg9 : memref<!tpu.dma_semaphore, #tpu.memory_space<semaphore_mem>>) src(%dma_wait3A_172 : memref<1015808x64xf32, #tpu.memory_space<hbm>>) dst(%dma_wait3A_166 : memref<128x64xf32, #tpu.memory_space<vmem>>)
      %dma_wait3A_173 = arith.constant 0 : i32
      %dma_wait3A_174 = arith.constant 1 : i32
      %dma_wait3A_175 = arith.constant 0 : i32
      %dma_wait3A_176 = arith.constant 128 : i32
      %dma_wait3A_177 = arith.constant 0 : i32
      %dma_wait3A_178 = tpu.memref_slice %arg7[%dma_wait3A_175, %dma_wait3A_176, %dma_wait3A_177] : memref<2x512x64xf32, #tpu.memory_space<vmem>> -> memref<1x128x64xf32, #tpu.memory_space<vmem>>
      %dma_wait3A_179 = tpu.memref_squeeze %dma_wait3A_178 : memref<1x128x64xf32, #tpu.memory_space<vmem>> -> memref<128x64xf32, #tpu.memory_space<vmem>>
      %dma_wait3A_180 = arith.constant 0 : i32
      %dma_wait3A_181 = tpu.memref_slice %arg6[%dma_wait3A_173, %dma_wait3A_174, %dma_wait3A_180] : memref<2x4x128xi32, #tpu.memory_space<vmem>> -> memref<1x1x128xi32, #tpu.memory_space<vmem>>
      %dma_wait3A_182 = tpu.memref_squeeze %dma_wait3A_181 : memref<1x1x128xi32, #tpu.memory_space<vmem>> -> memref<128xi32, #tpu.memory_space<vmem>>
      %dma_wait3A_183 = arith.constant 0 : i32
      %dma_wait3A_184 = arith.constant 0 : i32
      %dma_wait3A_185 = tpu.memref_slice %arg3[%dma_wait3A_183, %dma_wait3A_184] : memref<1015808x64xf32, #tpu.memory_space<hbm>> -> memref<1015808x64xf32, #tpu.memory_space<hbm>>
      tpu.wait_indirect_dma semaphore(%arg9 : memref<!tpu.dma_semaphore, #tpu.memory_space<semaphore_mem>>) src(%dma_wait3A_185 : memref<1015808x64xf32, #tpu.memory_space<hbm>>) dst(%dma_wait3A_179 : memref<128x64xf32, #tpu.memory_space<vmem>>)
      %dma_wait3A_186 = arith.constant 0 : i32
      %dma_wait3A_187 = arith.constant 2 : i32
      %dma_wait3A_188 = arith.constant 0 : i32
      %dma_wait3A_189 = arith.constant 256 : i32
      %dma_wait3A_190 = arith.constant 0 : i32
      %dma_wait3A_191 = tpu.memref_slice %arg7[%dma_wait3A_188, %dma_wait3A_189, %dma_wait3A_190] : memref<2x512x64xf32, #tpu.memory_space<vmem>> -> memref<1x128x64xf32, #tpu.memory_space<vmem>>
      %dma_wait3A_192 = tpu.memref_squeeze %dma_wait3A_191 : memref<1x128x64xf32, #tpu.memory_space<vmem>> -> memref<128x64xf32, #tpu.memory_space<vmem>>
      %dma_wait3A_193 = arith.constant 0 : i32
      %dma_wait3A_194 = tpu.memref_slice %arg6[%dma_wait3A_186, %dma_wait3A_187, %dma_wait3A_193] : memref<2x4x128xi32, #tpu.memory_space<vmem>> -> memref<1x1x128xi32, #tpu.memory_space<vmem>>
      %dma_wait3A_195 = tpu.memref_squeeze %dma_wait3A_194 : memref<1x1x128xi32, #tpu.memory_space<vmem>> -> memref<128xi32, #tpu.memory_space<vmem>>
      %dma_wait3A_196 = arith.constant 0 : i32
      %dma_wait3A_197 = arith.constant 0 : i32
      %dma_wait3A_198 = tpu.memref_slice %arg3[%dma_wait3A_196, %dma_wait3A_197] : memref<1015808x64xf32, #tpu.memory_space<hbm>> -> memref<1015808x64xf32, #tpu.memory_space<hbm>>
      tpu.wait_indirect_dma semaphore(%arg9 : memref<!tpu.dma_semaphore, #tpu.memory_space<semaphore_mem>>) src(%dma_wait3A_198 : memref<1015808x64xf32, #tpu.memory_space<hbm>>) dst(%dma_wait3A_192 : memref<128x64xf32, #tpu.memory_space<vmem>>)
      %dma_wait3A_199 = arith.constant 0 : i32
      %dma_wait3A_200 = arith.constant 3 : i32
      %dma_wait3A_201 = arith.constant 0 : i32
      %dma_wait3A_202 = arith.constant 384 : i32
      %dma_wait3A_203 = arith.constant 0 : i32
      %dma_wait3A_204 = tpu.memref_slice %arg7[%dma_wait3A_201, %dma_wait3A_202, %dma_wait3A_203] : memref<2x512x64xf32, #tpu.memory_space<vmem>> -> memref<1x128x64xf32, #tpu.memory_space<vmem>>
      %dma_wait3A_205 = tpu.memref_squeeze %dma_wait3A_204 : memref<1x128x64xf32, #tpu.memory_space<vmem>> -> memref<128x64xf32, #tpu.memory_space<vmem>>
      %dma_wait3A_206 = arith.constant 0 : i32
      %dma_wait3A_207 = tpu.memref_slice %arg6[%dma_wait3A_199, %dma_wait3A_200, %dma_wait3A_206] : memref<2x4x128xi32, #tpu.memory_space<vmem>> -> memref<1x1x128xi32, #tpu.memory_space<vmem>>
      %dma_wait3A_208 = tpu.memref_squeeze %dma_wait3A_207 : memref<1x1x128xi32, #tpu.memory_space<vmem>> -> memref<128xi32, #tpu.memory_space<vmem>>
      %dma_wait3A_209 = arith.constant 0 : i32
      %dma_wait3A_210 = arith.constant 0 : i32
      %dma_wait3A_211 = tpu.memref_slice %arg3[%dma_wait3A_209, %dma_wait3A_210] : memref<1015808x64xf32, #tpu.memory_space<hbm>> -> memref<1015808x64xf32, #tpu.memory_space<hbm>>
      tpu.wait_indirect_dma semaphore(%arg9 : memref<!tpu.dma_semaphore, #tpu.memory_space<semaphore_mem>>) src(%dma_wait3A_211 : memref<1015808x64xf32, #tpu.memory_space<hbm>>) dst(%dma_wait3A_205 : memref<128x64xf32, #tpu.memory_space<vmem>>)
      %lt3A = arith.constant 24 : i32
      %lt3A_212 = arith.cmpi slt, %scan3A_82, %lt3A : i32
      %convert_element_type3A_213 = arith.extui %lt3A_212 : i1 to i32
      %cond3A_214 = arith.constant 0 : i32
      %cond3A_215 = arith.cmpi ne, %convert_element_type3A_213, %cond3A_214 : i32
      scf.if %cond3A_215 {
        %add3A_395 = arith.constant 2 : i32
        %add3A_396 = arith.addi %add3A_86, %add3A_395 : i32
        %mul3A_397 = arith.constant 4 : i32
        %mul3A_398 = arith.muli %add3A_396, %mul3A_397 : i32
        %add3A_399 = arith.addi %mul3A_2, %mul3A_398 : i32
        %dma_start3A_400 = arith.constant 0 : i32
        %dma_start3A_401 = arith.constant 0 : i32
        %dma_start3A_402 = arith.constant 0 : i32
        %dma_start3A_403 = arith.constant 0 : i32
        %dma_start3A_404 = tpu.memref_slice %arg6[%dma_start3A_400, %dma_start3A_402, %dma_start3A_403] : memref<2x4x128xi32, #tpu.memory_space<vmem>> -> memref<1x4x128xi32, #tpu.memory_space<vmem>>
        %dma_start3A_405 = tpu.memref_squeeze %dma_start3A_404 : memref<1x4x128xi32, #tpu.memory_space<vmem>> -> memref<4x128xi32, #tpu.memory_space<vmem>>
        %dma_start3A_406 = arith.constant 0 : i32
        %dma_start3A_407 = tpu.memref_slice %arg2[%add3A_399, %dma_start3A_406] : memref<6400x128xi32, #tpu.memory_space<hbm>> -> memref<4x128xi32, #tpu.memory_space<hbm>>
        %dma_start3A_408 = tpu.memref_slice %arg8[%dma_start3A_401] : memref<2x!tpu.dma_semaphore, #tpu.memory_space<semaphore_mem>> -> memref<1x!tpu.dma_semaphore, #tpu.memory_space<semaphore_mem>>
        %dma_start3A_409 = tpu.memref_squeeze %dma_start3A_408 : memref<1x!tpu.dma_semaphore, #tpu.memory_space<semaphore_mem>> -> memref<!tpu.dma_semaphore, #tpu.memory_space<semaphore_mem>>
        %dma_start3A_410 = arith.constant 0 : i32
        %dma_start3A_411 = arith.constant 0 : i32
        %dma_start3A_412 = tpu.memref_slice %arg6[%dma_start3A_400, %dma_start3A_410, %dma_start3A_411] : memref<2x4x128xi32, #tpu.memory_space<vmem>> -> memref<1x4x128xi32, #tpu.memory_space<vmem>>
        %dma_start3A_413 = tpu.memref_squeeze %dma_start3A_412 : memref<1x4x128xi32, #tpu.memory_space<vmem>> -> memref<4x128xi32, #tpu.memory_space<vmem>>
        %dma_start3A_414 = arith.constant 0 : i32
        %dma_start3A_415 = tpu.memref_slice %arg2[%add3A_399, %dma_start3A_414] : memref<6400x128xi32, #tpu.memory_space<hbm>> -> memref<4x128xi32, #tpu.memory_space<hbm>>
        tpu.enqueue_dma source(%dma_start3A_415 : memref<4x128xi32, #tpu.memory_space<hbm>>) target(%dma_start3A_413 : memref<4x128xi32, #tpu.memory_space<vmem>>) target_semaphore(%dma_start3A_409 : memref<!tpu.dma_semaphore, #tpu.memory_space<semaphore_mem>>)
      } else {
      }
      %mul3A_216 = arith.constant 4 : i32
      %mul3A_217 = arith.muli %add3A_86, %mul3A_216 : i32
      %add3A_218 = arith.addi %mul3A_2, %mul3A_217 : i32
      %mul3A_219 = arith.constant 128 : i32
      %mul3A_220 = arith.muli %add3A_218, %mul3A_219 : i32
      %dma_start3A_221 = arith.constant 0 : i32
      %dma_start3A_222 = arith.constant 0 : i32
      %dma_start3A_223 = arith.constant 0 : i32
      %dma_start3A_224 = arith.constant 0 : i32
      %dma_start3A_225 = tpu.memref_slice %arg7[%dma_start3A_221, %dma_start3A_223, %dma_start3A_224] : memref<2x512x64xf32, #tpu.memory_space<vmem>> -> memref<1x512x64xf32, #tpu.memory_space<vmem>>
      %dma_start3A_226 = tpu.memref_squeeze %dma_start3A_225 : memref<1x512x64xf32, #tpu.memory_space<vmem>> -> memref<512x64xf32, #tpu.memory_space<vmem>>
      %dma_start3A_227 = arith.constant 0 : i32
      %dma_start3A_228 = tpu.memref_slice %arg4[%mul3A_220, %dma_start3A_227] : memref<819200x128xf32, #tpu.memory_space<hbm>> -> memref<512x64xf32, #tpu.memory_space<hbm>>
      %dma_start3A_229 = tpu.memref_slice %arg10[%dma_start3A_222] : memref<2x!tpu.dma_semaphore, #tpu.memory_space<semaphore_mem>> -> memref<1x!tpu.dma_semaphore, #tpu.memory_space<semaphore_mem>>
      %dma_start3A_230 = tpu.memref_squeeze %dma_start3A_229 : memref<1x!tpu.dma_semaphore, #tpu.memory_space<semaphore_mem>> -> memref<!tpu.dma_semaphore, #tpu.memory_space<semaphore_mem>>
      %dma_start3A_231 = arith.constant 0 : i32
      %dma_start3A_232 = tpu.memref_slice %arg4[%mul3A_220, %dma_start3A_231] : memref<819200x128xf32, #tpu.memory_space<hbm>> -> memref<512x64xf32, #tpu.memory_space<hbm>>
      %dma_start3A_233 = arith.constant 0 : i32
      %dma_start3A_234 = arith.constant 0 : i32
      %dma_start3A_235 = tpu.memref_slice %arg7[%dma_start3A_221, %dma_start3A_233, %dma_start3A_234] : memref<2x512x64xf32, #tpu.memory_space<vmem>> -> memref<1x512x64xf32, #tpu.memory_space<vmem>>
      %dma_start3A_236 = tpu.memref_squeeze %dma_start3A_235 : memref<1x512x64xf32, #tpu.memory_space<vmem>> -> memref<512x64xf32, #tpu.memory_space<vmem>>
      tpu.enqueue_dma source(%dma_start3A_236 : memref<512x64xf32, #tpu.memory_space<vmem>>) target(%dma_start3A_232 : memref<512x64xf32, #tpu.memory_space<hbm>>) target_semaphore(%dma_start3A_230 : memref<!tpu.dma_semaphore, #tpu.memory_space<semaphore_mem>>)
      %mul3A_237 = arith.constant 2 : i32
      %mul3A_238 = arith.muli %mul3A_237, %scan3A_82 : i32
      %add3A_239 = arith.constant 1 : i32
      %add3A_240 = arith.addi %mul3A_238, %add3A_239 : i32
      %mul3A_241 = arith.constant 4 : i32
      %mul3A_242 = arith.muli %add3A_240, %mul3A_241 : i32
      %add3A_243 = arith.addi %mul3A_2, %mul3A_242 : i32
      %dma_wait3A_244 = arith.constant 1 : i32
      %dma_wait3A_245 = arith.constant 1 : i32
      %dma_wait3A_246 = arith.constant 0 : i32
      %dma_wait3A_247 = arith.constant 0 : i32
      %dma_wait3A_248 = tpu.memref_slice %arg6[%dma_wait3A_244, %dma_wait3A_246, %dma_wait3A_247] : memref<2x4x128xi32, #tpu.memory_space<vmem>> -> memref<1x4x128xi32, #tpu.memory_space<vmem>>
      %dma_wait3A_249 = tpu.memref_squeeze %dma_wait3A_248 : memref<1x4x128xi32, #tpu.memory_space<vmem>> -> memref<4x128xi32, #tpu.memory_space<vmem>>
      %dma_wait3A_250 = arith.constant 0 : i32
      %dma_wait3A_251 = tpu.memref_slice %arg2[%add3A_243, %dma_wait3A_250] : memref<6400x128xi32, #tpu.memory_space<hbm>> -> memref<4x128xi32, #tpu.memory_space<hbm>>
      %dma_wait3A_252 = tpu.memref_slice %arg8[%dma_wait3A_245] : memref<2x!tpu.dma_semaphore, #tpu.memory_space<semaphore_mem>> -> memref<1x!tpu.dma_semaphore, #tpu.memory_space<semaphore_mem>>
      %dma_wait3A_253 = tpu.memref_squeeze %dma_wait3A_252 : memref<1x!tpu.dma_semaphore, #tpu.memory_space<semaphore_mem>> -> memref<!tpu.dma_semaphore, #tpu.memory_space<semaphore_mem>>
      %dma_wait3A_254 = arith.constant 0 : i32
      %dma_wait3A_255 = arith.constant 0 : i32
      %dma_wait3A_256 = tpu.memref_slice %arg6[%dma_wait3A_244, %dma_wait3A_254, %dma_wait3A_255] : memref<2x4x128xi32, #tpu.memory_space<vmem>> -> memref<1x4x128xi32, #tpu.memory_space<vmem>>
      %dma_wait3A_257 = tpu.memref_squeeze %dma_wait3A_256 : memref<1x4x128xi32, #tpu.memory_space<vmem>> -> memref<4x128xi32, #tpu.memory_space<vmem>>
      %dma_wait3A_258 = arith.constant 0 : i32
      %dma_wait3A_259 = tpu.memref_slice %arg2[%add3A_243, %dma_wait3A_258] : memref<6400x128xi32, #tpu.memory_space<hbm>> -> memref<4x128xi32, #tpu.memory_space<hbm>>
      tpu.wait_dma2 semaphore(%dma_wait3A_253 : memref<!tpu.dma_semaphore, #tpu.memory_space<semaphore_mem>>) src(%dma_wait3A_259 : memref<4x128xi32, #tpu.memory_space<hbm>>) dst(%dma_wait3A_257 : memref<4x128xi32, #tpu.memory_space<vmem>>)
      %gt3A_260 = arith.constant 0 : i32
      %gt3A_261 = arith.cmpi sgt, %scan3A_82, %gt3A_260 : i32
      %convert_element_type3A_262 = arith.extui %gt3A_261 : i1 to i32
      %cond3A_263 = arith.constant 0 : i32
      %cond3A_264 = arith.cmpi ne, %convert_element_type3A_262, %cond3A_263 : i32
      scf.if %cond3A_264 {
        %mul3A_395 = arith.constant 4 : i32
        %mul3A_396 = arith.muli %add3A_240, %mul3A_395 : i32
        %add3A_397 = arith.addi %mul3A_2, %mul3A_396 : i32
        %mul3A_398 = arith.constant 128 : i32
        %mul3A_399 = arith.muli %add3A_397, %mul3A_398 : i32
        %dma_wait3A_400 = arith.constant 1 : i32
        %dma_wait3A_401 = arith.constant 1 : i32
        %dma_wait3A_402 = arith.constant 0 : i32
        %dma_wait3A_403 = arith.constant 0 : i32
        %dma_wait3A_404 = tpu.memref_slice %arg7[%dma_wait3A_400, %dma_wait3A_402, %dma_wait3A_403] : memref<2x512x64xf32, #tpu.memory_space<vmem>> -> memref<1x512x64xf32, #tpu.memory_space<vmem>>
        %dma_wait3A_405 = tpu.memref_squeeze %dma_wait3A_404 : memref<1x512x64xf32, #tpu.memory_space<vmem>> -> memref<512x64xf32, #tpu.memory_space<vmem>>
        %dma_wait3A_406 = arith.constant 0 : i32
        %dma_wait3A_407 = tpu.memref_slice %arg4[%mul3A_399, %dma_wait3A_406] : memref<819200x128xf32, #tpu.memory_space<hbm>> -> memref<512x64xf32, #tpu.memory_space<hbm>>
        %dma_wait3A_408 = tpu.memref_slice %arg10[%dma_wait3A_401] : memref<2x!tpu.dma_semaphore, #tpu.memory_space<semaphore_mem>> -> memref<1x!tpu.dma_semaphore, #tpu.memory_space<semaphore_mem>>
        %dma_wait3A_409 = tpu.memref_squeeze %dma_wait3A_408 : memref<1x!tpu.dma_semaphore, #tpu.memory_space<semaphore_mem>> -> memref<!tpu.dma_semaphore, #tpu.memory_space<semaphore_mem>>
        %dma_wait3A_410 = arith.constant 0 : i32
        %dma_wait3A_411 = tpu.memref_slice %arg4[%mul3A_399, %dma_wait3A_410] : memref<819200x128xf32, #tpu.memory_space<hbm>> -> memref<512x64xf32, #tpu.memory_space<hbm>>
        %dma_wait3A_412 = arith.constant 0 : i32
        %dma_wait3A_413 = arith.constant 0 : i32
        %dma_wait3A_414 = tpu.memref_slice %arg7[%dma_wait3A_400, %dma_wait3A_412, %dma_wait3A_413] : memref<2x512x64xf32, #tpu.memory_space<vmem>> -> memref<1x512x64xf32, #tpu.memory_space<vmem>>
        %dma_wait3A_415 = tpu.memref_squeeze %dma_wait3A_414 : memref<1x512x64xf32, #tpu.memory_space<vmem>> -> memref<512x64xf32, #tpu.memory_space<vmem>>
        tpu.wait_dma2 semaphore(%dma_wait3A_409 : memref<!tpu.dma_semaphore, #tpu.memory_space<semaphore_mem>>) src(%dma_wait3A_415 : memref<512x64xf32, #tpu.memory_space<vmem>>) dst(%dma_wait3A_411 : memref<512x64xf32, #tpu.memory_space<hbm>>)
      } else {
      }
      %dma_start3A_265 = arith.constant 1 : i32
      %dma_start3A_266 = arith.constant 0 : i32
      %dma_start3A_267 = arith.constant 1 : i32
      %dma_start3A_268 = arith.constant 0 : i32
      %dma_start3A_269 = arith.constant 0 : i32
      %dma_start3A_270 = tpu.memref_slice %arg7[%dma_start3A_267, %dma_start3A_268, %dma_start3A_269] : memref<2x512x64xf32, #tpu.memory_space<vmem>> -> memref<1x128x64xf32, #tpu.memory_space<vmem>>
      %dma_start3A_271 = tpu.memref_squeeze %dma_start3A_270 : memref<1x128x64xf32, #tpu.memory_space<vmem>> -> memref<128x64xf32, #tpu.memory_space<vmem>>
      %dma_start3A_272 = arith.constant 0 : i32
      %dma_start3A_273 = tpu.memref_slice %arg6[%dma_start3A_265, %dma_start3A_266, %dma_start3A_272] : memref<2x4x128xi32, #tpu.memory_space<vmem>> -> memref<1x1x128xi32, #tpu.memory_space<vmem>>
      %dma_start3A_274 = tpu.memref_squeeze %dma_start3A_273 : memref<1x1x128xi32, #tpu.memory_space<vmem>> -> memref<128xi32, #tpu.memory_space<vmem>>
      %dma_start3A_275 = arith.constant 0 : i32
      %dma_start3A_276 = arith.constant 0 : i32
      %dma_start3A_277 = tpu.memref_slice %arg3[%dma_start3A_275, %dma_start3A_276] : memref<1015808x64xf32, #tpu.memory_space<hbm>> -> memref<1015808x64xf32, #tpu.memory_space<hbm>>
      tpu.enqueue_indirect_dma source(%dma_start3A_277 : memref<1015808x64xf32, #tpu.memory_space<hbm>>) target(%dma_start3A_271 : memref<128x64xf32, #tpu.memory_space<vmem>>) offsets(%dma_start3A_274 : memref<128xi32, #tpu.memory_space<vmem>>) semaphore(%arg9 : memref<!tpu.dma_semaphore, #tpu.memory_space<semaphore_mem>>)
      %dma_start3A_278 = arith.constant 1 : i32
      %dma_start3A_279 = arith.constant 1 : i32
      %dma_start3A_280 = arith.constant 1 : i32
      %dma_start3A_281 = arith.constant 128 : i32
      %dma_start3A_282 = arith.constant 0 : i32
      %dma_start3A_283 = tpu.memref_slice %arg7[%dma_start3A_280, %dma_start3A_281, %dma_start3A_282] : memref<2x512x64xf32, #tpu.memory_space<vmem>> -> memref<1x128x64xf32, #tpu.memory_space<vmem>>
      %dma_start3A_284 = tpu.memref_squeeze %dma_start3A_283 : memref<1x128x64xf32, #tpu.memory_space<vmem>> -> memref<128x64xf32, #tpu.memory_space<vmem>>
      %dma_start3A_285 = arith.constant 0 : i32
      %dma_start3A_286 = tpu.memref_slice %arg6[%dma_start3A_278, %dma_start3A_279, %dma_start3A_285] : memref<2x4x128xi32, #tpu.memory_space<vmem>> -> memref<1x1x128xi32, #tpu.memory_space<vmem>>
      %dma_start3A_287 = tpu.memref_squeeze %dma_start3A_286 : memref<1x1x128xi32, #tpu.memory_space<vmem>> -> memref<128xi32, #tpu.memory_space<vmem>>
      %dma_start3A_288 = arith.constant 0 : i32
      %dma_start3A_289 = arith.constant 0 : i32
      %dma_start3A_290 = tpu.memref_slice %arg3[%dma_start3A_288, %dma_start3A_289] : memref<1015808x64xf32, #tpu.memory_space<hbm>> -> memref<1015808x64xf32, #tpu.memory_space<hbm>>
      tpu.enqueue_indirect_dma source(%dma_start3A_290 : memref<1015808x64xf32, #tpu.memory_space<hbm>>) target(%dma_start3A_284 : memref<128x64xf32, #tpu.memory_space<vmem>>) offsets(%dma_start3A_287 : memref<128xi32, #tpu.memory_space<vmem>>) semaphore(%arg9 : memref<!tpu.dma_semaphore, #tpu.memory_space<semaphore_mem>>)
      %dma_start3A_291 = arith.constant 1 : i32
      %dma_start3A_292 = arith.constant 2 : i32
      %dma_start3A_293 = arith.constant 1 : i32
      %dma_start3A_294 = arith.constant 256 : i32
      %dma_start3A_295 = arith.constant 0 : i32
      %dma_start3A_296 = tpu.memref_slice %arg7[%dma_start3A_293, %dma_start3A_294, %dma_start3A_295] : memref<2x512x64xf32, #tpu.memory_space<vmem>> -> memref<1x128x64xf32, #tpu.memory_space<vmem>>
      %dma_start3A_297 = tpu.memref_squeeze %dma_start3A_296 : memref<1x128x64xf32, #tpu.memory_space<vmem>> -> memref<128x64xf32, #tpu.memory_space<vmem>>
      %dma_start3A_298 = arith.constant 0 : i32
      %dma_start3A_299 = tpu.memref_slice %arg6[%dma_start3A_291, %dma_start3A_292, %dma_start3A_298] : memref<2x4x128xi32, #tpu.memory_space<vmem>> -> memref<1x1x128xi32, #tpu.memory_space<vmem>>
      %dma_start3A_300 = tpu.memref_squeeze %dma_start3A_299 : memref<1x1x128xi32, #tpu.memory_space<vmem>> -> memref<128xi32, #tpu.memory_space<vmem>>
      %dma_start3A_301 = arith.constant 0 : i32
      %dma_start3A_302 = arith.constant 0 : i32
      %dma_start3A_303 = tpu.memref_slice %arg3[%dma_start3A_301, %dma_start3A_302] : memref<1015808x64xf32, #tpu.memory_space<hbm>> -> memref<1015808x64xf32, #tpu.memory_space<hbm>>
      tpu.enqueue_indirect_dma source(%dma_start3A_303 : memref<1015808x64xf32, #tpu.memory_space<hbm>>) target(%dma_start3A_297 : memref<128x64xf32, #tpu.memory_space<vmem>>) offsets(%dma_start3A_300 : memref<128xi32, #tpu.memory_space<vmem>>) semaphore(%arg9 : memref<!tpu.dma_semaphore, #tpu.memory_space<semaphore_mem>>)
      %dma_start3A_304 = arith.constant 1 : i32
      %dma_start3A_305 = arith.constant 3 : i32
      %dma_start3A_306 = arith.constant 1 : i32
      %dma_start3A_307 = arith.constant 384 : i32
      %dma_start3A_308 = arith.constant 0 : i32
      %dma_start3A_309 = tpu.memref_slice %arg7[%dma_start3A_306, %dma_start3A_307, %dma_start3A_308] : memref<2x512x64xf32, #tpu.memory_space<vmem>> -> memref<1x128x64xf32, #tpu.memory_space<vmem>>
      %dma_start3A_310 = tpu.memref_squeeze %dma_start3A_309 : memref<1x128x64xf32, #tpu.memory_space<vmem>> -> memref<128x64xf32, #tpu.memory_space<vmem>>
      %dma_start3A_311 = arith.constant 0 : i32
      %dma_start3A_312 = tpu.memref_slice %arg6[%dma_start3A_304, %dma_start3A_305, %dma_start3A_311] : memref<2x4x128xi32, #tpu.memory_space<vmem>> -> memref<1x1x128xi32, #tpu.memory_space<vmem>>
      %dma_start3A_313 = tpu.memref_squeeze %dma_start3A_312 : memref<1x1x128xi32, #tpu.memory_space<vmem>> -> memref<128xi32, #tpu.memory_space<vmem>>
      %dma_start3A_314 = arith.constant 0 : i32
      %dma_start3A_315 = arith.constant 0 : i32
      %dma_start3A_316 = tpu.memref_slice %arg3[%dma_start3A_314, %dma_start3A_315] : memref<1015808x64xf32, #tpu.memory_space<hbm>> -> memref<1015808x64xf32, #tpu.memory_space<hbm>>
      tpu.enqueue_indirect_dma source(%dma_start3A_316 : memref<1015808x64xf32, #tpu.memory_space<hbm>>) target(%dma_start3A_310 : memref<128x64xf32, #tpu.memory_space<vmem>>) offsets(%dma_start3A_313 : memref<128xi32, #tpu.memory_space<vmem>>) semaphore(%arg9 : memref<!tpu.dma_semaphore, #tpu.memory_space<semaphore_mem>>)
      %dma_wait3A_317 = arith.constant 1 : i32
      %dma_wait3A_318 = arith.constant 0 : i32
      %dma_wait3A_319 = arith.constant 1 : i32
      %dma_wait3A_320 = arith.constant 0 : i32
      %dma_wait3A_321 = arith.constant 0 : i32
      %dma_wait3A_322 = tpu.memref_slice %arg7[%dma_wait3A_319, %dma_wait3A_320, %dma_wait3A_321] : memref<2x512x64xf32, #tpu.memory_space<vmem>> -> memref<1x128x64xf32, #tpu.memory_space<vmem>>
      %dma_wait3A_323 = tpu.memref_squeeze %dma_wait3A_322 : memref<1x128x64xf32, #tpu.memory_space<vmem>> -> memref<128x64xf32, #tpu.memory_space<vmem>>
      %dma_wait3A_324 = arith.constant 0 : i32
      %dma_wait3A_325 = tpu.memref_slice %arg6[%dma_wait3A_317, %dma_wait3A_318, %dma_wait3A_324] : memref<2x4x128xi32, #tpu.memory_space<vmem>> -> memref<1x1x128xi32, #tpu.memory_space<vmem>>
      %dma_wait3A_326 = tpu.memref_squeeze %dma_wait3A_325 : memref<1x1x128xi32, #tpu.memory_space<vmem>> -> memref<128xi32, #tpu.memory_space<vmem>>
      %dma_wait3A_327 = arith.constant 0 : i32
      %dma_wait3A_328 = arith.constant 0 : i32
      %dma_wait3A_329 = tpu.memref_slice %arg3[%dma_wait3A_327, %dma_wait3A_328] : memref<1015808x64xf32, #tpu.memory_space<hbm>> -> memref<1015808x64xf32, #tpu.memory_space<hbm>>
      tpu.wait_indirect_dma semaphore(%arg9 : memref<!tpu.dma_semaphore, #tpu.memory_space<semaphore_mem>>) src(%dma_wait3A_329 : memref<1015808x64xf32, #tpu.memory_space<hbm>>) dst(%dma_wait3A_323 : memref<128x64xf32, #tpu.memory_space<vmem>>)
      %dma_wait3A_330 = arith.constant 1 : i32
      %dma_wait3A_331 = arith.constant 1 : i32
      %dma_wait3A_332 = arith.constant 1 : i32
      %dma_wait3A_333 = arith.constant 128 : i32
      %dma_wait3A_334 = arith.constant 0 : i32
      %dma_wait3A_335 = tpu.memref_slice %arg7[%dma_wait3A_332, %dma_wait3A_333, %dma_wait3A_334] : memref<2x512x64xf32, #tpu.memory_space<vmem>> -> memref<1x128x64xf32, #tpu.memory_space<vmem>>
      %dma_wait3A_336 = tpu.memref_squeeze %dma_wait3A_335 : memref<1x128x64xf32, #tpu.memory_space<vmem>> -> memref<128x64xf32, #tpu.memory_space<vmem>>
      %dma_wait3A_337 = arith.constant 0 : i32
      %dma_wait3A_338 = tpu.memref_slice %arg6[%dma_wait3A_330, %dma_wait3A_331, %dma_wait3A_337] : memref<2x4x128xi32, #tpu.memory_space<vmem>> -> memref<1x1x128xi32, #tpu.memory_space<vmem>>
      %dma_wait3A_339 = tpu.memref_squeeze %dma_wait3A_338 : memref<1x1x128xi32, #tpu.memory_space<vmem>> -> memref<128xi32, #tpu.memory_space<vmem>>
      %dma_wait3A_340 = arith.constant 0 : i32
      %dma_wait3A_341 = arith.constant 0 : i32
      %dma_wait3A_342 = tpu.memref_slice %arg3[%dma_wait3A_340, %dma_wait3A_341] : memref<1015808x64xf32, #tpu.memory_space<hbm>> -> memref<1015808x64xf32, #tpu.memory_space<hbm>>
      tpu.wait_indirect_dma semaphore(%arg9 : memref<!tpu.dma_semaphore, #tpu.memory_space<semaphore_mem>>) src(%dma_wait3A_342 : memref<1015808x64xf32, #tpu.memory_space<hbm>>) dst(%dma_wait3A_336 : memref<128x64xf32, #tpu.memory_space<vmem>>)
      %dma_wait3A_343 = arith.constant 1 : i32
      %dma_wait3A_344 = arith.constant 2 : i32
      %dma_wait3A_345 = arith.constant 1 : i32
      %dma_wait3A_346 = arith.constant 256 : i32
      %dma_wait3A_347 = arith.constant 0 : i32
      %dma_wait3A_348 = tpu.memref_slice %arg7[%dma_wait3A_345, %dma_wait3A_346, %dma_wait3A_347] : memref<2x512x64xf32, #tpu.memory_space<vmem>> -> memref<1x128x64xf32, #tpu.memory_space<vmem>>
      %dma_wait3A_349 = tpu.memref_squeeze %dma_wait3A_348 : memref<1x128x64xf32, #tpu.memory_space<vmem>> -> memref<128x64xf32, #tpu.memory_space<vmem>>
      %dma_wait3A_350 = arith.constant 0 : i32
      %dma_wait3A_351 = tpu.memref_slice %arg6[%dma_wait3A_343, %dma_wait3A_344, %dma_wait3A_350] : memref<2x4x128xi32, #tpu.memory_space<vmem>> -> memref<1x1x128xi32, #tpu.memory_space<vmem>>
      %dma_wait3A_352 = tpu.memref_squeeze %dma_wait3A_351 : memref<1x1x128xi32, #tpu.memory_space<vmem>> -> memref<128xi32, #tpu.memory_space<vmem>>
      %dma_wait3A_353 = arith.constant 0 : i32
      %dma_wait3A_354 = arith.constant 0 : i32
      %dma_wait3A_355 = tpu.memref_slice %arg3[%dma_wait3A_353, %dma_wait3A_354] : memref<1015808x64xf32, #tpu.memory_space<hbm>> -> memref<1015808x64xf32, #tpu.memory_space<hbm>>
      tpu.wait_indirect_dma semaphore(%arg9 : memref<!tpu.dma_semaphore, #tpu.memory_space<semaphore_mem>>) src(%dma_wait3A_355 : memref<1015808x64xf32, #tpu.memory_space<hbm>>) dst(%dma_wait3A_349 : memref<128x64xf32, #tpu.memory_space<vmem>>)
      %dma_wait3A_356 = arith.constant 1 : i32
      %dma_wait3A_357 = arith.constant 3 : i32
      %dma_wait3A_358 = arith.constant 1 : i32
      %dma_wait3A_359 = arith.constant 384 : i32
      %dma_wait3A_360 = arith.constant 0 : i32
      %dma_wait3A_361 = tpu.memref_slice %arg7[%dma_wait3A_358, %dma_wait3A_359, %dma_wait3A_360] : memref<2x512x64xf32, #tpu.memory_space<vmem>> -> memref<1x128x64xf32, #tpu.memory_space<vmem>>
      %dma_wait3A_362 = tpu.memref_squeeze %dma_wait3A_361 : memref<1x128x64xf32, #tpu.memory_space<vmem>> -> memref<128x64xf32, #tpu.memory_space<vmem>>
      %dma_wait3A_363 = arith.constant 0 : i32
      %dma_wait3A_364 = tpu.memref_slice %arg6[%dma_wait3A_356, %dma_wait3A_357, %dma_wait3A_363] : memref<2x4x128xi32, #tpu.memory_space<vmem>> -> memref<1x1x128xi32, #tpu.memory_space<vmem>>
      %dma_wait3A_365 = tpu.memref_squeeze %dma_wait3A_364 : memref<1x1x128xi32, #tpu.memory_space<vmem>> -> memref<128xi32, #tpu.memory_space<vmem>>
      %dma_wait3A_366 = arith.constant 0 : i32
      %dma_wait3A_367 = arith.constant 0 : i32
      %dma_wait3A_368 = tpu.memref_slice %arg3[%dma_wait3A_366, %dma_wait3A_367] : memref<1015808x64xf32, #tpu.memory_space<hbm>> -> memref<1015808x64xf32, #tpu.memory_space<hbm>>
      tpu.wait_indirect_dma semaphore(%arg9 : memref<!tpu.dma_semaphore, #tpu.memory_space<semaphore_mem>>) src(%dma_wait3A_368 : memref<1015808x64xf32, #tpu.memory_space<hbm>>) dst(%dma_wait3A_362 : memref<128x64xf32, #tpu.memory_space<vmem>>)
      %lt3A_369 = arith.constant 24 : i32
      %lt3A_370 = arith.cmpi slt, %scan3A_82, %lt3A_369 : i32
      %convert_element_type3A_371 = arith.extui %lt3A_370 : i1 to i32
      %cond3A_372 = arith.constant 0 : i32
      %cond3A_373 = arith.cmpi ne, %convert_element_type3A_371, %cond3A_372 : i32
      scf.if %cond3A_373 {
        %add3A_395 = arith.constant 2 : i32
        %add3A_396 = arith.addi %add3A_240, %add3A_395 : i32
        %mul3A_397 = arith.constant 4 : i32
        %mul3A_398 = arith.muli %add3A_396, %mul3A_397 : i32
        %add3A_399 = arith.addi %mul3A_2, %mul3A_398 : i32
        %dma_start3A_400 = arith.constant 1 : i32
        %dma_start3A_401 = arith.constant 1 : i32
        %dma_start3A_402 = arith.constant 0 : i32
        %dma_start3A_403 = arith.constant 0 : i32
        %dma_start3A_404 = tpu.memref_slice %arg6[%dma_start3A_400, %dma_start3A_402, %dma_start3A_403] : memref<2x4x128xi32, #tpu.memory_space<vmem>> -> memref<1x4x128xi32, #tpu.memory_space<vmem>>
        %dma_start3A_405 = tpu.memref_squeeze %dma_start3A_404 : memref<1x4x128xi32, #tpu.memory_space<vmem>> -> memref<4x128xi32, #tpu.memory_space<vmem>>
        %dma_start3A_406 = arith.constant 0 : i32
        %dma_start3A_407 = tpu.memref_slice %arg2[%add3A_399, %dma_start3A_406] : memref<6400x128xi32, #tpu.memory_space<hbm>> -> memref<4x128xi32, #tpu.memory_space<hbm>>
        %dma_start3A_408 = tpu.memref_slice %arg8[%dma_start3A_401] : memref<2x!tpu.dma_semaphore, #tpu.memory_space<semaphore_mem>> -> memref<1x!tpu.dma_semaphore, #tpu.memory_space<semaphore_mem>>
        %dma_start3A_409 = tpu.memref_squeeze %dma_start3A_408 : memref<1x!tpu.dma_semaphore, #tpu.memory_space<semaphore_mem>> -> memref<!tpu.dma_semaphore, #tpu.memory_space<semaphore_mem>>
        %dma_start3A_410 = arith.constant 0 : i32
        %dma_start3A_411 = arith.constant 0 : i32
        %dma_start3A_412 = tpu.memref_slice %arg6[%dma_start3A_400, %dma_start3A_410, %dma_start3A_411] : memref<2x4x128xi32, #tpu.memory_space<vmem>> -> memref<1x4x128xi32, #tpu.memory_space<vmem>>
        %dma_start3A_413 = tpu.memref_squeeze %dma_start3A_412 : memref<1x4x128xi32, #tpu.memory_space<vmem>> -> memref<4x128xi32, #tpu.memory_space<vmem>>
        %dma_start3A_414 = arith.constant 0 : i32
        %dma_start3A_415 = tpu.memref_slice %arg2[%add3A_399, %dma_start3A_414] : memref<6400x128xi32, #tpu.memory_space<hbm>> -> memref<4x128xi32, #tpu.memory_space<hbm>>
        tpu.enqueue_dma source(%dma_start3A_415 : memref<4x128xi32, #tpu.memory_space<hbm>>) target(%dma_start3A_413 : memref<4x128xi32, #tpu.memory_space<vmem>>) target_semaphore(%dma_start3A_409 : memref<!tpu.dma_semaphore, #tpu.memory_space<semaphore_mem>>)
      } else {
      }
      %mul3A_374 = arith.constant 4 : i32
      %mul3A_375 = arith.muli %add3A_240, %mul3A_374 : i32
      %add3A_376 = arith.addi %mul3A_2, %mul3A_375 : i32
      %mul3A_377 = arith.constant 128 : i32
      %mul3A_378 = arith.muli %add3A_376, %mul3A_377 : i32
      %dma_start3A_379 = arith.constant 1 : i32
      %dma_start3A_380 = arith.constant 1 : i32
      %dma_start3A_381 = arith.constant 0 : i32
      %dma_start3A_382 = arith.constant 0 : i32
      %dma_start3A_383 = tpu.memref_slice %arg7[%dma_start3A_379, %dma_start3A_381, %dma_start3A_382] : memref<2x512x64xf32, #tpu.memory_space<vmem>> -> memref<1x512x64xf32, #tpu.memory_space<vmem>>
      %dma_start3A_384 = tpu.memref_squeeze %dma_start3A_383 : memref<1x512x64xf32, #tpu.memory_space<vmem>> -> memref<512x64xf32, #tpu.memory_space<vmem>>
      %dma_start3A_385 = arith.constant 0 : i32
      %dma_start3A_386 = tpu.memref_slice %arg4[%mul3A_378, %dma_start3A_385] : memref<819200x128xf32, #tpu.memory_space<hbm>> -> memref<512x64xf32, #tpu.memory_space<hbm>>
      %dma_start3A_387 = tpu.memref_slice %arg10[%dma_start3A_380] : memref<2x!tpu.dma_semaphore, #tpu.memory_space<semaphore_mem>> -> memref<1x!tpu.dma_semaphore, #tpu.memory_space<semaphore_mem>>
      %dma_start3A_388 = tpu.memref_squeeze %dma_start3A_387 : memref<1x!tpu.dma_semaphore, #tpu.memory_space<semaphore_mem>> -> memref<!tpu.dma_semaphore, #tpu.memory_space<semaphore_mem>>
      %dma_start3A_389 = arith.constant 0 : i32
      %dma_start3A_390 = tpu.memref_slice %arg4[%mul3A_378, %dma_start3A_389] : memref<819200x128xf32, #tpu.memory_space<hbm>> -> memref<512x64xf32, #tpu.memory_space<hbm>>
      %dma_start3A_391 = arith.constant 0 : i32
      %dma_start3A_392 = arith.constant 0 : i32
      %dma_start3A_393 = tpu.memref_slice %arg7[%dma_start3A_379, %dma_start3A_391, %dma_start3A_392] : memref<2x512x64xf32, #tpu.memory_space<vmem>> -> memref<1x512x64xf32, #tpu.memory_space<vmem>>
      %dma_start3A_394 = tpu.memref_squeeze %dma_start3A_393 : memref<1x512x64xf32, #tpu.memory_space<vmem>> -> memref<512x64xf32, #tpu.memory_space<vmem>>
      tpu.enqueue_dma source(%dma_start3A_394 : memref<512x64xf32, #tpu.memory_space<vmem>>) target(%dma_start3A_390 : memref<512x64xf32, #tpu.memory_space<hbm>>) target_semaphore(%dma_start3A_388 : memref<!tpu.dma_semaphore, #tpu.memory_space<semaphore_mem>>)
    }
    %scan3A_42 = arith.constant 25 : i32
    %add3A_43 = arith.constant 192 : i32
    %add3A_44 = arith.addi %mul3A_2, %add3A_43 : i32
    %mul3A_45 = arith.constant 128 : i32
    %mul3A_46 = arith.muli %add3A_44, %mul3A_45 : i32
    %dma_wait3A = arith.constant 0 : i32
    %dma_wait3A_47 = arith.constant 0 : i32
    %dma_wait3A_48 = arith.constant 0 : i32
    %dma_wait3A_49 = arith.constant 0 : i32
    %dma_wait3A_50 = tpu.memref_slice %arg7[%dma_wait3A, %dma_wait3A_48, %dma_wait3A_49] : memref<2x512x64xf32, #tpu.memory_space<vmem>> -> memref<1x512x64xf32, #tpu.memory_space<vmem>>
    %dma_wait3A_51 = tpu.memref_squeeze %dma_wait3A_50 : memref<1x512x64xf32, #tpu.memory_space<vmem>> -> memref<512x64xf32, #tpu.memory_space<vmem>>
    %dma_wait3A_52 = arith.constant 0 : i32
    %dma_wait3A_53 = tpu.memref_slice %arg4[%mul3A_46, %dma_wait3A_52] : memref<819200x128xf32, #tpu.memory_space<hbm>> -> memref<512x64xf32, #tpu.memory_space<hbm>>
    %dma_wait3A_54 = tpu.memref_slice %arg10[%dma_wait3A_47] : memref<2x!tpu.dma_semaphore, #tpu.memory_space<semaphore_mem>> -> memref<1x!tpu.dma_semaphore, #tpu.memory_space<semaphore_mem>>
    %dma_wait3A_55 = tpu.memref_squeeze %dma_wait3A_54 : memref<1x!tpu.dma_semaphore, #tpu.memory_space<semaphore_mem>> -> memref<!tpu.dma_semaphore, #tpu.memory_space<semaphore_mem>>
    %dma_wait3A_56 = arith.constant 0 : i32
    %dma_wait3A_57 = tpu.memref_slice %arg4[%mul3A_46, %dma_wait3A_56] : memref<819200x128xf32, #tpu.memory_space<hbm>> -> memref<512x64xf32, #tpu.memory_space<hbm>>
    %dma_wait3A_58 = arith.constant 0 : i32
    %dma_wait3A_59 = arith.constant 0 : i32
    %dma_wait3A_60 = tpu.memref_slice %arg7[%dma_wait3A, %dma_wait3A_58, %dma_wait3A_59] : memref<2x512x64xf32, #tpu.memory_space<vmem>> -> memref<1x512x64xf32, #tpu.memory_space<vmem>>
    %dma_wait3A_61 = tpu.memref_squeeze %dma_wait3A_60 : memref<1x512x64xf32, #tpu.memory_space<vmem>> -> memref<512x64xf32, #tpu.memory_space<vmem>>
    tpu.wait_dma2 semaphore(%dma_wait3A_55 : memref<!tpu.dma_semaphore, #tpu.memory_space<semaphore_mem>>) src(%dma_wait3A_61 : memref<512x64xf32, #tpu.memory_space<vmem>>) dst(%dma_wait3A_57 : memref<512x64xf32, #tpu.memory_space<hbm>>)
    %add3A_62 = arith.constant 196 : i32
    %add3A_63 = arith.addi %mul3A_2, %add3A_62 : i32
    %mul3A_64 = arith.constant 128 : i32
    %mul3A_65 = arith.muli %add3A_63, %mul3A_64 : i32
    %dma_wait3A_66 = arith.constant 1 : i32
    %dma_wait3A_67 = arith.constant 1 : i32
    %dma_wait3A_68 = arith.constant 0 : i32
    %dma_wait3A_69 = arith.constant 0 : i32
    %dma_wait3A_70 = tpu.memref_slice %arg7[%dma_wait3A_66, %dma_wait3A_68, %dma_wait3A_69] : memref<2x512x64xf32, #tpu.memory_space<vmem>> -> memref<1x512x64xf32, #tpu.memory_space<vmem>>
    %dma_wait3A_71 = tpu.memref_squeeze %dma_wait3A_70 : memref<1x512x64xf32, #tpu.memory_space<vmem>> -> memref<512x64xf32, #tpu.memory_space<vmem>>
    %dma_wait3A_72 = arith.constant 0 : i32
    %dma_wait3A_73 = tpu.memref_slice %arg4[%mul3A_65, %dma_wait3A_72] : memref<819200x128xf32, #tpu.memory_space<hbm>> -> memref<512x64xf32, #tpu.memory_space<hbm>>
    %dma_wait3A_74 = tpu.memref_slice %arg10[%dma_wait3A_67] : memref<2x!tpu.dma_semaphore, #tpu.memory_space<semaphore_mem>> -> memref<1x!tpu.dma_semaphore, #tpu.memory_space<semaphore_mem>>
    %dma_wait3A_75 = tpu.memref_squeeze %dma_wait3A_74 : memref<1x!tpu.dma_semaphore, #tpu.memory_space<semaphore_mem>> -> memref<!tpu.dma_semaphore, #tpu.memory_space<semaphore_mem>>
    %dma_wait3A_76 = arith.constant 0 : i32
    %dma_wait3A_77 = tpu.memref_slice %arg4[%mul3A_65, %dma_wait3A_76] : memref<819200x128xf32, #tpu.memory_space<hbm>> -> memref<512x64xf32, #tpu.memory_space<hbm>>
    %dma_wait3A_78 = arith.constant 0 : i32
    %dma_wait3A_79 = arith.constant 0 : i32
    %dma_wait3A_80 = tpu.memref_slice %arg7[%dma_wait3A_66, %dma_wait3A_78, %dma_wait3A_79] : memref<2x512x64xf32, #tpu.memory_space<vmem>> -> memref<1x512x64xf32, #tpu.memory_space<vmem>>
    %dma_wait3A_81 = tpu.memref_squeeze %dma_wait3A_80 : memref<1x512x64xf32, #tpu.memory_space<vmem>> -> memref<512x64xf32, #tpu.memory_space<vmem>>
    tpu.wait_dma2 semaphore(%dma_wait3A_75 : memref<!tpu.dma_semaphore, #tpu.memory_space<semaphore_mem>>) src(%dma_wait3A_81 : memref<512x64xf32, #tpu.memory_space<vmem>>) dst(%dma_wait3A_77 : memref<512x64xf32, #tpu.memory_space<hbm>>)
    return
  }
}

#map = affine_map<(d0, d1) -> (0, 0)>
module attributes {stable_mosaic.version = 14 : i64} {
  func.func @pos_half(%arg0: i32, %arg1: i32, %arg2: memref<6400x128xi32, #tpu.memory_space<hbm>>, %arg3: memref<16384x64xf32, #tpu.memory_space<hbm>>, %arg4: memref<819200x128xf32, #tpu.memory_space<hbm>>, %arg5: memref<2x4x128xi32, #tpu.memory_space<vmem>>, %arg6: memref<2x512x64xf32, #tpu.memory_space<vmem>>, %arg7: memref<2x!tpu.dma_semaphore, #tpu.memory_space<semaphore_mem>>, %arg8: memref<!tpu.dma_semaphore, #tpu.memory_space<semaphore_mem>>, %arg9: memref<2x!tpu.dma_semaphore, #tpu.memory_space<semaphore_mem>>) attributes {dimension_semantics = [#tpu.dimension_semantics<core_parallel>, #tpu.dimension_semantics<subcore_parallel>], iteration_bounds = array<i64: 2, 16>, scalar_prefetch = 0 : i64, scratch_operands = 5 : i64, tpu.core_type = #tpu.core_type<sc_vector_subcore>, window_params = [{transform_indices = #map}, {transform_indices = #map}, {transform_indices = #map}]} {
    %mul3A = arith.constant 2 : i32
    %mul3A_0 = arith.muli %arg1, %mul3A : i32
    %add3A = arith.addi %mul3A_0, %arg0 : i32
    %mul3A_1 = arith.constant 200 : i32
    %mul3A_2 = arith.muli %add3A, %mul3A_1 : i32
    %add3A_3 = arith.constant 0 : i32
    %add3A_4 = arith.addi %mul3A_2, %add3A_3 : i32
    %dma_start3A = arith.constant 0 : i32
    %dma_start3A_5 = arith.constant 0 : i32
    %dma_start3A_6 = arith.constant 0 : i32
    %dma_start3A_7 = arith.constant 0 : i32
    %dma_start3A_8 = tpu.memref_slice %arg5[%dma_start3A, %dma_start3A_6, %dma_start3A_7] : memref<2x4x128xi32, #tpu.memory_space<vmem>> -> memref<1x4x128xi32, #tpu.memory_space<vmem>>
    %dma_start3A_9 = tpu.memref_squeeze %dma_start3A_8 : memref<1x4x128xi32, #tpu.memory_space<vmem>> -> memref<4x128xi32, #tpu.memory_space<vmem>>
    %dma_start3A_10 = arith.constant 0 : i32
    %dma_start3A_11 = tpu.memref_slice %arg2[%add3A_4, %dma_start3A_10] : memref<6400x128xi32, #tpu.memory_space<hbm>> -> memref<4x128xi32, #tpu.memory_space<hbm>>
    %dma_start3A_12 = tpu.memref_slice %arg7[%dma_start3A_5] : memref<2x!tpu.dma_semaphore, #tpu.memory_space<semaphore_mem>> -> memref<1x!tpu.dma_semaphore, #tpu.memory_space<semaphore_mem>>
    %dma_start3A_13 = tpu.memref_squeeze %dma_start3A_12 : memref<1x!tpu.dma_semaphore, #tpu.memory_space<semaphore_mem>> -> memref<!tpu.dma_semaphore, #tpu.memory_space<semaphore_mem>>
    %dma_start3A_14 = arith.constant 0 : i32
    %dma_start3A_15 = arith.constant 0 : i32
    %dma_start3A_16 = tpu.memref_slice %arg5[%dma_start3A, %dma_start3A_14, %dma_start3A_15] : memref<2x4x128xi32, #tpu.memory_space<vmem>> -> memref<1x4x128xi32, #tpu.memory_space<vmem>>
    %dma_start3A_17 = tpu.memref_squeeze %dma_start3A_16 : memref<1x4x128xi32, #tpu.memory_space<vmem>> -> memref<4x128xi32, #tpu.memory_space<vmem>>
    %dma_start3A_18 = arith.constant 0 : i32
    %dma_start3A_19 = tpu.memref_slice %arg2[%add3A_4, %dma_start3A_18] : memref<6400x128xi32, #tpu.memory_space<hbm>> -> memref<4x128xi32, #tpu.memory_space<hbm>>
    tpu.enqueue_dma source(%dma_start3A_19 : memref<4x128xi32, #tpu.memory_space<hbm>>) target(%dma_start3A_17 : memref<4x128xi32, #tpu.memory_space<vmem>>) target_semaphore(%dma_start3A_13 : memref<!tpu.dma_semaphore, #tpu.memory_space<semaphore_mem>>)
    %add3A_20 = arith.constant 4 : i32
    %add3A_21 = arith.addi %mul3A_2, %add3A_20 : i32
    %dma_start3A_22 = arith.constant 1 : i32
    %dma_start3A_23 = arith.constant 1 : i32
    %dma_start3A_24 = arith.constant 0 : i32
    %dma_start3A_25 = arith.constant 0 : i32
    %dma_start3A_26 = tpu.memref_slice %arg5[%dma_start3A_22, %dma_start3A_24, %dma_start3A_25] : memref<2x4x128xi32, #tpu.memory_space<vmem>> -> memref<1x4x128xi32, #tpu.memory_space<vmem>>
    %dma_start3A_27 = tpu.memref_squeeze %dma_start3A_26 : memref<1x4x128xi32, #tpu.memory_space<vmem>> -> memref<4x128xi32, #tpu.memory_space<vmem>>
    %dma_start3A_28 = arith.constant 0 : i32
    %dma_start3A_29 = tpu.memref_slice %arg2[%add3A_21, %dma_start3A_28] : memref<6400x128xi32, #tpu.memory_space<hbm>> -> memref<4x128xi32, #tpu.memory_space<hbm>>
    %dma_start3A_30 = tpu.memref_slice %arg7[%dma_start3A_23] : memref<2x!tpu.dma_semaphore, #tpu.memory_space<semaphore_mem>> -> memref<1x!tpu.dma_semaphore, #tpu.memory_space<semaphore_mem>>
    %dma_start3A_31 = tpu.memref_squeeze %dma_start3A_30 : memref<1x!tpu.dma_semaphore, #tpu.memory_space<semaphore_mem>> -> memref<!tpu.dma_semaphore, #tpu.memory_space<semaphore_mem>>
    %dma_start3A_32 = arith.constant 0 : i32
    %dma_start3A_33 = arith.constant 0 : i32
    %dma_start3A_34 = tpu.memref_slice %arg5[%dma_start3A_22, %dma_start3A_32, %dma_start3A_33] : memref<2x4x128xi32, #tpu.memory_space<vmem>> -> memref<1x4x128xi32, #tpu.memory_space<vmem>>
    %dma_start3A_35 = tpu.memref_squeeze %dma_start3A_34 : memref<1x4x128xi32, #tpu.memory_space<vmem>> -> memref<4x128xi32, #tpu.memory_space<vmem>>
    %dma_start3A_36 = arith.constant 0 : i32
    %dma_start3A_37 = tpu.memref_slice %arg2[%add3A_21, %dma_start3A_36] : memref<6400x128xi32, #tpu.memory_space<hbm>> -> memref<4x128xi32, #tpu.memory_space<hbm>>
    tpu.enqueue_dma source(%dma_start3A_37 : memref<4x128xi32, #tpu.memory_space<hbm>>) target(%dma_start3A_35 : memref<4x128xi32, #tpu.memory_space<vmem>>) target_semaphore(%dma_start3A_31 : memref<!tpu.dma_semaphore, #tpu.memory_space<semaphore_mem>>)
    %scan3A = arith.constant 0 : i32
    %scan3A_38 = arith.constant 0 : i32
    %scan3A_39 = arith.constant 25 : i32
    %scan3A_40 = arith.addi %scan3A_38, %scan3A_39 : i32
    %scan3A_41 = arith.constant 1 : i32
    scf.for %scan3A_82 = %scan3A_38 to %scan3A_40 step %scan3A_41  : i32 {
      %mul3A_83 = arith.constant 2 : i32
      %mul3A_84 = arith.muli %mul3A_83, %scan3A_82 : i32
      %add3A_85 = arith.constant 0 : i32
      %add3A_86 = arith.addi %mul3A_84, %add3A_85 : i32
      %mul3A_87 = arith.constant 4 : i32
      %mul3A_88 = arith.muli %add3A_86, %mul3A_87 : i32
      %add3A_89 = arith.addi %mul3A_2, %mul3A_88 : i32
      %dma_wait3A_90 = arith.constant 0 : i32
      %dma_wait3A_91 = arith.constant 0 : i32
      %dma_wait3A_92 = arith.constant 0 : i32
      %dma_wait3A_93 = arith.constant 0 : i32
      %dma_wait3A_94 = tpu.memref_slice %arg5[%dma_wait3A_90, %dma_wait3A_92, %dma_wait3A_93] : memref<2x4x128xi32, #tpu.memory_space<vmem>> -> memref<1x4x128xi32, #tpu.memory_space<vmem>>
      %dma_wait3A_95 = tpu.memref_squeeze %dma_wait3A_94 : memref<1x4x128xi32, #tpu.memory_space<vmem>> -> memref<4x128xi32, #tpu.memory_space<vmem>>
      %dma_wait3A_96 = arith.constant 0 : i32
      %dma_wait3A_97 = tpu.memref_slice %arg2[%add3A_89, %dma_wait3A_96] : memref<6400x128xi32, #tpu.memory_space<hbm>> -> memref<4x128xi32, #tpu.memory_space<hbm>>
      %dma_wait3A_98 = tpu.memref_slice %arg7[%dma_wait3A_91] : memref<2x!tpu.dma_semaphore, #tpu.memory_space<semaphore_mem>> -> memref<1x!tpu.dma_semaphore, #tpu.memory_space<semaphore_mem>>
      %dma_wait3A_99 = tpu.memref_squeeze %dma_wait3A_98 : memref<1x!tpu.dma_semaphore, #tpu.memory_space<semaphore_mem>> -> memref<!tpu.dma_semaphore, #tpu.memory_space<semaphore_mem>>
      %dma_wait3A_100 = arith.constant 0 : i32
      %dma_wait3A_101 = arith.constant 0 : i32
      %dma_wait3A_102 = tpu.memref_slice %arg5[%dma_wait3A_90, %dma_wait3A_100, %dma_wait3A_101] : memref<2x4x128xi32, #tpu.memory_space<vmem>> -> memref<1x4x128xi32, #tpu.memory_space<vmem>>
      %dma_wait3A_103 = tpu.memref_squeeze %dma_wait3A_102 : memref<1x4x128xi32, #tpu.memory_space<vmem>> -> memref<4x128xi32, #tpu.memory_space<vmem>>
      %dma_wait3A_104 = arith.constant 0 : i32
      %dma_wait3A_105 = tpu.memref_slice %arg2[%add3A_89, %dma_wait3A_104] : memref<6400x128xi32, #tpu.memory_space<hbm>> -> memref<4x128xi32, #tpu.memory_space<hbm>>
      tpu.wait_dma2 semaphore(%dma_wait3A_99 : memref<!tpu.dma_semaphore, #tpu.memory_space<semaphore_mem>>) src(%dma_wait3A_105 : memref<4x128xi32, #tpu.memory_space<hbm>>) dst(%dma_wait3A_103 : memref<4x128xi32, #tpu.memory_space<vmem>>)
      %gt3A = arith.constant 0 : i32
      %gt3A_106 = arith.cmpi sgt, %scan3A_82, %gt3A : i32
      %convert_element_type3A = arith.extui %gt3A_106 : i1 to i32
      %cond3A = arith.constant 0 : i32
      %cond3A_107 = arith.cmpi ne, %convert_element_type3A, %cond3A : i32
      scf.if %cond3A_107 {
        %mul3A_395 = arith.constant 4 : i32
        %mul3A_396 = arith.muli %add3A_86, %mul3A_395 : i32
        %add3A_397 = arith.addi %mul3A_2, %mul3A_396 : i32
        %mul3A_398 = arith.constant 128 : i32
        %mul3A_399 = arith.muli %add3A_397, %mul3A_398 : i32
        %dma_wait3A_400 = arith.constant 0 : i32
        %dma_wait3A_401 = arith.constant 0 : i32
        %dma_wait3A_402 = arith.constant 0 : i32
        %dma_wait3A_403 = arith.constant 0 : i32
        %dma_wait3A_404 = tpu.memref_slice %arg6[%dma_wait3A_400, %dma_wait3A_402, %dma_wait3A_403] : memref<2x512x64xf32, #tpu.memory_space<vmem>> -> memref<1x512x64xf32, #tpu.memory_space<vmem>>
        %dma_wait3A_405 = tpu.memref_squeeze %dma_wait3A_404 : memref<1x512x64xf32, #tpu.memory_space<vmem>> -> memref<512x64xf32, #tpu.memory_space<vmem>>
        %dma_wait3A_406 = arith.constant 64 : i32
        %dma_wait3A_407 = tpu.memref_slice %arg4[%mul3A_399, %dma_wait3A_406] : memref<819200x128xf32, #tpu.memory_space<hbm>> -> memref<512x64xf32, #tpu.memory_space<hbm>>
        %dma_wait3A_408 = tpu.memref_slice %arg9[%dma_wait3A_401] : memref<2x!tpu.dma_semaphore, #tpu.memory_space<semaphore_mem>> -> memref<1x!tpu.dma_semaphore, #tpu.memory_space<semaphore_mem>>
        %dma_wait3A_409 = tpu.memref_squeeze %dma_wait3A_408 : memref<1x!tpu.dma_semaphore, #tpu.memory_space<semaphore_mem>> -> memref<!tpu.dma_semaphore, #tpu.memory_space<semaphore_mem>>
        %dma_wait3A_410 = arith.constant 64 : i32
        %dma_wait3A_411 = tpu.memref_slice %arg4[%mul3A_399, %dma_wait3A_410] : memref<819200x128xf32, #tpu.memory_space<hbm>> -> memref<512x64xf32, #tpu.memory_space<hbm>>
        %dma_wait3A_412 = arith.constant 0 : i32
        %dma_wait3A_413 = arith.constant 0 : i32
        %dma_wait3A_414 = tpu.memref_slice %arg6[%dma_wait3A_400, %dma_wait3A_412, %dma_wait3A_413] : memref<2x512x64xf32, #tpu.memory_space<vmem>> -> memref<1x512x64xf32, #tpu.memory_space<vmem>>
        %dma_wait3A_415 = tpu.memref_squeeze %dma_wait3A_414 : memref<1x512x64xf32, #tpu.memory_space<vmem>> -> memref<512x64xf32, #tpu.memory_space<vmem>>
        tpu.wait_dma2 semaphore(%dma_wait3A_409 : memref<!tpu.dma_semaphore, #tpu.memory_space<semaphore_mem>>) src(%dma_wait3A_415 : memref<512x64xf32, #tpu.memory_space<vmem>>) dst(%dma_wait3A_411 : memref<512x64xf32, #tpu.memory_space<hbm>>)
      } else {
      }
      %dma_start3A_108 = arith.constant 0 : i32
      %dma_start3A_109 = arith.constant 0 : i32
      %dma_start3A_110 = arith.constant 0 : i32
      %dma_start3A_111 = arith.constant 0 : i32
      %dma_start3A_112 = arith.constant 0 : i32
      %dma_start3A_113 = tpu.memref_slice %arg6[%dma_start3A_110, %dma_start3A_111, %dma_start3A_112] : memref<2x512x64xf32, #tpu.memory_space<vmem>> -> memref<1x128x64xf32, #tpu.memory_space<vmem>>
      %dma_start3A_114 = tpu.memref_squeeze %dma_start3A_113 : memref<1x128x64xf32, #tpu.memory_space<vmem>> -> memref<128x64xf32, #tpu.memory_space<vmem>>
      %dma_start3A_115 = arith.constant 0 : i32
      %dma_start3A_116 = tpu.memref_slice %arg5[%dma_start3A_108, %dma_start3A_109, %dma_start3A_115] : memref<2x4x128xi32, #tpu.memory_space<vmem>> -> memref<1x1x128xi32, #tpu.memory_space<vmem>>
      %dma_start3A_117 = tpu.memref_squeeze %dma_start3A_116 : memref<1x1x128xi32, #tpu.memory_space<vmem>> -> memref<128xi32, #tpu.memory_space<vmem>>
      %dma_start3A_118 = arith.constant 0 : i32
      %dma_start3A_119 = arith.constant 0 : i32
      %dma_start3A_120 = tpu.memref_slice %arg3[%dma_start3A_118, %dma_start3A_119] : memref<16384x64xf32, #tpu.memory_space<hbm>> -> memref<16384x64xf32, #tpu.memory_space<hbm>>
      tpu.enqueue_indirect_dma source(%dma_start3A_120 : memref<16384x64xf32, #tpu.memory_space<hbm>>) target(%dma_start3A_114 : memref<128x64xf32, #tpu.memory_space<vmem>>) offsets(%dma_start3A_117 : memref<128xi32, #tpu.memory_space<vmem>>) semaphore(%arg8 : memref<!tpu.dma_semaphore, #tpu.memory_space<semaphore_mem>>)
      %dma_start3A_121 = arith.constant 0 : i32
      %dma_start3A_122 = arith.constant 1 : i32
      %dma_start3A_123 = arith.constant 0 : i32
      %dma_start3A_124 = arith.constant 128 : i32
      %dma_start3A_125 = arith.constant 0 : i32
      %dma_start3A_126 = tpu.memref_slice %arg6[%dma_start3A_123, %dma_start3A_124, %dma_start3A_125] : memref<2x512x64xf32, #tpu.memory_space<vmem>> -> memref<1x128x64xf32, #tpu.memory_space<vmem>>
      %dma_start3A_127 = tpu.memref_squeeze %dma_start3A_126 : memref<1x128x64xf32, #tpu.memory_space<vmem>> -> memref<128x64xf32, #tpu.memory_space<vmem>>
      %dma_start3A_128 = arith.constant 0 : i32
      %dma_start3A_129 = tpu.memref_slice %arg5[%dma_start3A_121, %dma_start3A_122, %dma_start3A_128] : memref<2x4x128xi32, #tpu.memory_space<vmem>> -> memref<1x1x128xi32, #tpu.memory_space<vmem>>
      %dma_start3A_130 = tpu.memref_squeeze %dma_start3A_129 : memref<1x1x128xi32, #tpu.memory_space<vmem>> -> memref<128xi32, #tpu.memory_space<vmem>>
      %dma_start3A_131 = arith.constant 0 : i32
      %dma_start3A_132 = arith.constant 0 : i32
      %dma_start3A_133 = tpu.memref_slice %arg3[%dma_start3A_131, %dma_start3A_132] : memref<16384x64xf32, #tpu.memory_space<hbm>> -> memref<16384x64xf32, #tpu.memory_space<hbm>>
      tpu.enqueue_indirect_dma source(%dma_start3A_133 : memref<16384x64xf32, #tpu.memory_space<hbm>>) target(%dma_start3A_127 : memref<128x64xf32, #tpu.memory_space<vmem>>) offsets(%dma_start3A_130 : memref<128xi32, #tpu.memory_space<vmem>>) semaphore(%arg8 : memref<!tpu.dma_semaphore, #tpu.memory_space<semaphore_mem>>)
      %dma_start3A_134 = arith.constant 0 : i32
      %dma_start3A_135 = arith.constant 2 : i32
      %dma_start3A_136 = arith.constant 0 : i32
      %dma_start3A_137 = arith.constant 256 : i32
      %dma_start3A_138 = arith.constant 0 : i32
      %dma_start3A_139 = tpu.memref_slice %arg6[%dma_start3A_136, %dma_start3A_137, %dma_start3A_138] : memref<2x512x64xf32, #tpu.memory_space<vmem>> -> memref<1x128x64xf32, #tpu.memory_space<vmem>>
      %dma_start3A_140 = tpu.memref_squeeze %dma_start3A_139 : memref<1x128x64xf32, #tpu.memory_space<vmem>> -> memref<128x64xf32, #tpu.memory_space<vmem>>
      %dma_start3A_141 = arith.constant 0 : i32
      %dma_start3A_142 = tpu.memref_slice %arg5[%dma_start3A_134, %dma_start3A_135, %dma_start3A_141] : memref<2x4x128xi32, #tpu.memory_space<vmem>> -> memref<1x1x128xi32, #tpu.memory_space<vmem>>
      %dma_start3A_143 = tpu.memref_squeeze %dma_start3A_142 : memref<1x1x128xi32, #tpu.memory_space<vmem>> -> memref<128xi32, #tpu.memory_space<vmem>>
      %dma_start3A_144 = arith.constant 0 : i32
      %dma_start3A_145 = arith.constant 0 : i32
      %dma_start3A_146 = tpu.memref_slice %arg3[%dma_start3A_144, %dma_start3A_145] : memref<16384x64xf32, #tpu.memory_space<hbm>> -> memref<16384x64xf32, #tpu.memory_space<hbm>>
      tpu.enqueue_indirect_dma source(%dma_start3A_146 : memref<16384x64xf32, #tpu.memory_space<hbm>>) target(%dma_start3A_140 : memref<128x64xf32, #tpu.memory_space<vmem>>) offsets(%dma_start3A_143 : memref<128xi32, #tpu.memory_space<vmem>>) semaphore(%arg8 : memref<!tpu.dma_semaphore, #tpu.memory_space<semaphore_mem>>)
      %dma_start3A_147 = arith.constant 0 : i32
      %dma_start3A_148 = arith.constant 3 : i32
      %dma_start3A_149 = arith.constant 0 : i32
      %dma_start3A_150 = arith.constant 384 : i32
      %dma_start3A_151 = arith.constant 0 : i32
      %dma_start3A_152 = tpu.memref_slice %arg6[%dma_start3A_149, %dma_start3A_150, %dma_start3A_151] : memref<2x512x64xf32, #tpu.memory_space<vmem>> -> memref<1x128x64xf32, #tpu.memory_space<vmem>>
      %dma_start3A_153 = tpu.memref_squeeze %dma_start3A_152 : memref<1x128x64xf32, #tpu.memory_space<vmem>> -> memref<128x64xf32, #tpu.memory_space<vmem>>
      %dma_start3A_154 = arith.constant 0 : i32
      %dma_start3A_155 = tpu.memref_slice %arg5[%dma_start3A_147, %dma_start3A_148, %dma_start3A_154] : memref<2x4x128xi32, #tpu.memory_space<vmem>> -> memref<1x1x128xi32, #tpu.memory_space<vmem>>
      %dma_start3A_156 = tpu.memref_squeeze %dma_start3A_155 : memref<1x1x128xi32, #tpu.memory_space<vmem>> -> memref<128xi32, #tpu.memory_space<vmem>>
      %dma_start3A_157 = arith.constant 0 : i32
      %dma_start3A_158 = arith.constant 0 : i32
      %dma_start3A_159 = tpu.memref_slice %arg3[%dma_start3A_157, %dma_start3A_158] : memref<16384x64xf32, #tpu.memory_space<hbm>> -> memref<16384x64xf32, #tpu.memory_space<hbm>>
      tpu.enqueue_indirect_dma source(%dma_start3A_159 : memref<16384x64xf32, #tpu.memory_space<hbm>>) target(%dma_start3A_153 : memref<128x64xf32, #tpu.memory_space<vmem>>) offsets(%dma_start3A_156 : memref<128xi32, #tpu.memory_space<vmem>>) semaphore(%arg8 : memref<!tpu.dma_semaphore, #tpu.memory_space<semaphore_mem>>)
      %dma_wait3A_160 = arith.constant 0 : i32
      %dma_wait3A_161 = arith.constant 0 : i32
      %dma_wait3A_162 = arith.constant 0 : i32
      %dma_wait3A_163 = arith.constant 0 : i32
      %dma_wait3A_164 = arith.constant 0 : i32
      %dma_wait3A_165 = tpu.memref_slice %arg6[%dma_wait3A_162, %dma_wait3A_163, %dma_wait3A_164] : memref<2x512x64xf32, #tpu.memory_space<vmem>> -> memref<1x128x64xf32, #tpu.memory_space<vmem>>
      %dma_wait3A_166 = tpu.memref_squeeze %dma_wait3A_165 : memref<1x128x64xf32, #tpu.memory_space<vmem>> -> memref<128x64xf32, #tpu.memory_space<vmem>>
      %dma_wait3A_167 = arith.constant 0 : i32
      %dma_wait3A_168 = tpu.memref_slice %arg5[%dma_wait3A_160, %dma_wait3A_161, %dma_wait3A_167] : memref<2x4x128xi32, #tpu.memory_space<vmem>> -> memref<1x1x128xi32, #tpu.memory_space<vmem>>
      %dma_wait3A_169 = tpu.memref_squeeze %dma_wait3A_168 : memref<1x1x128xi32, #tpu.memory_space<vmem>> -> memref<128xi32, #tpu.memory_space<vmem>>
      %dma_wait3A_170 = arith.constant 0 : i32
      %dma_wait3A_171 = arith.constant 0 : i32
      %dma_wait3A_172 = tpu.memref_slice %arg3[%dma_wait3A_170, %dma_wait3A_171] : memref<16384x64xf32, #tpu.memory_space<hbm>> -> memref<16384x64xf32, #tpu.memory_space<hbm>>
      tpu.wait_indirect_dma semaphore(%arg8 : memref<!tpu.dma_semaphore, #tpu.memory_space<semaphore_mem>>) src(%dma_wait3A_172 : memref<16384x64xf32, #tpu.memory_space<hbm>>) dst(%dma_wait3A_166 : memref<128x64xf32, #tpu.memory_space<vmem>>)
      %dma_wait3A_173 = arith.constant 0 : i32
      %dma_wait3A_174 = arith.constant 1 : i32
      %dma_wait3A_175 = arith.constant 0 : i32
      %dma_wait3A_176 = arith.constant 128 : i32
      %dma_wait3A_177 = arith.constant 0 : i32
      %dma_wait3A_178 = tpu.memref_slice %arg6[%dma_wait3A_175, %dma_wait3A_176, %dma_wait3A_177] : memref<2x512x64xf32, #tpu.memory_space<vmem>> -> memref<1x128x64xf32, #tpu.memory_space<vmem>>
      %dma_wait3A_179 = tpu.memref_squeeze %dma_wait3A_178 : memref<1x128x64xf32, #tpu.memory_space<vmem>> -> memref<128x64xf32, #tpu.memory_space<vmem>>
      %dma_wait3A_180 = arith.constant 0 : i32
      %dma_wait3A_181 = tpu.memref_slice %arg5[%dma_wait3A_173, %dma_wait3A_174, %dma_wait3A_180] : memref<2x4x128xi32, #tpu.memory_space<vmem>> -> memref<1x1x128xi32, #tpu.memory_space<vmem>>
      %dma_wait3A_182 = tpu.memref_squeeze %dma_wait3A_181 : memref<1x1x128xi32, #tpu.memory_space<vmem>> -> memref<128xi32, #tpu.memory_space<vmem>>
      %dma_wait3A_183 = arith.constant 0 : i32
      %dma_wait3A_184 = arith.constant 0 : i32
      %dma_wait3A_185 = tpu.memref_slice %arg3[%dma_wait3A_183, %dma_wait3A_184] : memref<16384x64xf32, #tpu.memory_space<hbm>> -> memref<16384x64xf32, #tpu.memory_space<hbm>>
      tpu.wait_indirect_dma semaphore(%arg8 : memref<!tpu.dma_semaphore, #tpu.memory_space<semaphore_mem>>) src(%dma_wait3A_185 : memref<16384x64xf32, #tpu.memory_space<hbm>>) dst(%dma_wait3A_179 : memref<128x64xf32, #tpu.memory_space<vmem>>)
      %dma_wait3A_186 = arith.constant 0 : i32
      %dma_wait3A_187 = arith.constant 2 : i32
      %dma_wait3A_188 = arith.constant 0 : i32
      %dma_wait3A_189 = arith.constant 256 : i32
      %dma_wait3A_190 = arith.constant 0 : i32
      %dma_wait3A_191 = tpu.memref_slice %arg6[%dma_wait3A_188, %dma_wait3A_189, %dma_wait3A_190] : memref<2x512x64xf32, #tpu.memory_space<vmem>> -> memref<1x128x64xf32, #tpu.memory_space<vmem>>
      %dma_wait3A_192 = tpu.memref_squeeze %dma_wait3A_191 : memref<1x128x64xf32, #tpu.memory_space<vmem>> -> memref<128x64xf32, #tpu.memory_space<vmem>>
      %dma_wait3A_193 = arith.constant 0 : i32
      %dma_wait3A_194 = tpu.memref_slice %arg5[%dma_wait3A_186, %dma_wait3A_187, %dma_wait3A_193] : memref<2x4x128xi32, #tpu.memory_space<vmem>> -> memref<1x1x128xi32, #tpu.memory_space<vmem>>
      %dma_wait3A_195 = tpu.memref_squeeze %dma_wait3A_194 : memref<1x1x128xi32, #tpu.memory_space<vmem>> -> memref<128xi32, #tpu.memory_space<vmem>>
      %dma_wait3A_196 = arith.constant 0 : i32
      %dma_wait3A_197 = arith.constant 0 : i32
      %dma_wait3A_198 = tpu.memref_slice %arg3[%dma_wait3A_196, %dma_wait3A_197] : memref<16384x64xf32, #tpu.memory_space<hbm>> -> memref<16384x64xf32, #tpu.memory_space<hbm>>
      tpu.wait_indirect_dma semaphore(%arg8 : memref<!tpu.dma_semaphore, #tpu.memory_space<semaphore_mem>>) src(%dma_wait3A_198 : memref<16384x64xf32, #tpu.memory_space<hbm>>) dst(%dma_wait3A_192 : memref<128x64xf32, #tpu.memory_space<vmem>>)
      %dma_wait3A_199 = arith.constant 0 : i32
      %dma_wait3A_200 = arith.constant 3 : i32
      %dma_wait3A_201 = arith.constant 0 : i32
      %dma_wait3A_202 = arith.constant 384 : i32
      %dma_wait3A_203 = arith.constant 0 : i32
      %dma_wait3A_204 = tpu.memref_slice %arg6[%dma_wait3A_201, %dma_wait3A_202, %dma_wait3A_203] : memref<2x512x64xf32, #tpu.memory_space<vmem>> -> memref<1x128x64xf32, #tpu.memory_space<vmem>>
      %dma_wait3A_205 = tpu.memref_squeeze %dma_wait3A_204 : memref<1x128x64xf32, #tpu.memory_space<vmem>> -> memref<128x64xf32, #tpu.memory_space<vmem>>
      %dma_wait3A_206 = arith.constant 0 : i32
      %dma_wait3A_207 = tpu.memref_slice %arg5[%dma_wait3A_199, %dma_wait3A_200, %dma_wait3A_206] : memref<2x4x128xi32, #tpu.memory_space<vmem>> -> memref<1x1x128xi32, #tpu.memory_space<vmem>>
      %dma_wait3A_208 = tpu.memref_squeeze %dma_wait3A_207 : memref<1x1x128xi32, #tpu.memory_space<vmem>> -> memref<128xi32, #tpu.memory_space<vmem>>
      %dma_wait3A_209 = arith.constant 0 : i32
      %dma_wait3A_210 = arith.constant 0 : i32
      %dma_wait3A_211 = tpu.memref_slice %arg3[%dma_wait3A_209, %dma_wait3A_210] : memref<16384x64xf32, #tpu.memory_space<hbm>> -> memref<16384x64xf32, #tpu.memory_space<hbm>>
      tpu.wait_indirect_dma semaphore(%arg8 : memref<!tpu.dma_semaphore, #tpu.memory_space<semaphore_mem>>) src(%dma_wait3A_211 : memref<16384x64xf32, #tpu.memory_space<hbm>>) dst(%dma_wait3A_205 : memref<128x64xf32, #tpu.memory_space<vmem>>)
      %lt3A = arith.constant 24 : i32
      %lt3A_212 = arith.cmpi slt, %scan3A_82, %lt3A : i32
      %convert_element_type3A_213 = arith.extui %lt3A_212 : i1 to i32
      %cond3A_214 = arith.constant 0 : i32
      %cond3A_215 = arith.cmpi ne, %convert_element_type3A_213, %cond3A_214 : i32
      scf.if %cond3A_215 {
        %add3A_395 = arith.constant 2 : i32
        %add3A_396 = arith.addi %add3A_86, %add3A_395 : i32
        %mul3A_397 = arith.constant 4 : i32
        %mul3A_398 = arith.muli %add3A_396, %mul3A_397 : i32
        %add3A_399 = arith.addi %mul3A_2, %mul3A_398 : i32
        %dma_start3A_400 = arith.constant 0 : i32
        %dma_start3A_401 = arith.constant 0 : i32
        %dma_start3A_402 = arith.constant 0 : i32
        %dma_start3A_403 = arith.constant 0 : i32
        %dma_start3A_404 = tpu.memref_slice %arg5[%dma_start3A_400, %dma_start3A_402, %dma_start3A_403] : memref<2x4x128xi32, #tpu.memory_space<vmem>> -> memref<1x4x128xi32, #tpu.memory_space<vmem>>
        %dma_start3A_405 = tpu.memref_squeeze %dma_start3A_404 : memref<1x4x128xi32, #tpu.memory_space<vmem>> -> memref<4x128xi32, #tpu.memory_space<vmem>>
        %dma_start3A_406 = arith.constant 0 : i32
        %dma_start3A_407 = tpu.memref_slice %arg2[%add3A_399, %dma_start3A_406] : memref<6400x128xi32, #tpu.memory_space<hbm>> -> memref<4x128xi32, #tpu.memory_space<hbm>>
        %dma_start3A_408 = tpu.memref_slice %arg7[%dma_start3A_401] : memref<2x!tpu.dma_semaphore, #tpu.memory_space<semaphore_mem>> -> memref<1x!tpu.dma_semaphore, #tpu.memory_space<semaphore_mem>>
        %dma_start3A_409 = tpu.memref_squeeze %dma_start3A_408 : memref<1x!tpu.dma_semaphore, #tpu.memory_space<semaphore_mem>> -> memref<!tpu.dma_semaphore, #tpu.memory_space<semaphore_mem>>
        %dma_start3A_410 = arith.constant 0 : i32
        %dma_start3A_411 = arith.constant 0 : i32
        %dma_start3A_412 = tpu.memref_slice %arg5[%dma_start3A_400, %dma_start3A_410, %dma_start3A_411] : memref<2x4x128xi32, #tpu.memory_space<vmem>> -> memref<1x4x128xi32, #tpu.memory_space<vmem>>
        %dma_start3A_413 = tpu.memref_squeeze %dma_start3A_412 : memref<1x4x128xi32, #tpu.memory_space<vmem>> -> memref<4x128xi32, #tpu.memory_space<vmem>>
        %dma_start3A_414 = arith.constant 0 : i32
        %dma_start3A_415 = tpu.memref_slice %arg2[%add3A_399, %dma_start3A_414] : memref<6400x128xi32, #tpu.memory_space<hbm>> -> memref<4x128xi32, #tpu.memory_space<hbm>>
        tpu.enqueue_dma source(%dma_start3A_415 : memref<4x128xi32, #tpu.memory_space<hbm>>) target(%dma_start3A_413 : memref<4x128xi32, #tpu.memory_space<vmem>>) target_semaphore(%dma_start3A_409 : memref<!tpu.dma_semaphore, #tpu.memory_space<semaphore_mem>>)
      } else {
      }
      %mul3A_216 = arith.constant 4 : i32
      %mul3A_217 = arith.muli %add3A_86, %mul3A_216 : i32
      %add3A_218 = arith.addi %mul3A_2, %mul3A_217 : i32
      %mul3A_219 = arith.constant 128 : i32
      %mul3A_220 = arith.muli %add3A_218, %mul3A_219 : i32
      %dma_start3A_221 = arith.constant 0 : i32
      %dma_start3A_222 = arith.constant 0 : i32
      %dma_start3A_223 = arith.constant 0 : i32
      %dma_start3A_224 = arith.constant 0 : i32
      %dma_start3A_225 = tpu.memref_slice %arg6[%dma_start3A_221, %dma_start3A_223, %dma_start3A_224] : memref<2x512x64xf32, #tpu.memory_space<vmem>> -> memref<1x512x64xf32, #tpu.memory_space<vmem>>
      %dma_start3A_226 = tpu.memref_squeeze %dma_start3A_225 : memref<1x512x64xf32, #tpu.memory_space<vmem>> -> memref<512x64xf32, #tpu.memory_space<vmem>>
      %dma_start3A_227 = arith.constant 64 : i32
      %dma_start3A_228 = tpu.memref_slice %arg4[%mul3A_220, %dma_start3A_227] : memref<819200x128xf32, #tpu.memory_space<hbm>> -> memref<512x64xf32, #tpu.memory_space<hbm>>
      %dma_start3A_229 = tpu.memref_slice %arg9[%dma_start3A_222] : memref<2x!tpu.dma_semaphore, #tpu.memory_space<semaphore_mem>> -> memref<1x!tpu.dma_semaphore, #tpu.memory_space<semaphore_mem>>
      %dma_start3A_230 = tpu.memref_squeeze %dma_start3A_229 : memref<1x!tpu.dma_semaphore, #tpu.memory_space<semaphore_mem>> -> memref<!tpu.dma_semaphore, #tpu.memory_space<semaphore_mem>>
      %dma_start3A_231 = arith.constant 64 : i32
      %dma_start3A_232 = tpu.memref_slice %arg4[%mul3A_220, %dma_start3A_231] : memref<819200x128xf32, #tpu.memory_space<hbm>> -> memref<512x64xf32, #tpu.memory_space<hbm>>
      %dma_start3A_233 = arith.constant 0 : i32
      %dma_start3A_234 = arith.constant 0 : i32
      %dma_start3A_235 = tpu.memref_slice %arg6[%dma_start3A_221, %dma_start3A_233, %dma_start3A_234] : memref<2x512x64xf32, #tpu.memory_space<vmem>> -> memref<1x512x64xf32, #tpu.memory_space<vmem>>
      %dma_start3A_236 = tpu.memref_squeeze %dma_start3A_235 : memref<1x512x64xf32, #tpu.memory_space<vmem>> -> memref<512x64xf32, #tpu.memory_space<vmem>>
      tpu.enqueue_dma source(%dma_start3A_236 : memref<512x64xf32, #tpu.memory_space<vmem>>) target(%dma_start3A_232 : memref<512x64xf32, #tpu.memory_space<hbm>>) target_semaphore(%dma_start3A_230 : memref<!tpu.dma_semaphore, #tpu.memory_space<semaphore_mem>>)
      %mul3A_237 = arith.constant 2 : i32
      %mul3A_238 = arith.muli %mul3A_237, %scan3A_82 : i32
      %add3A_239 = arith.constant 1 : i32
      %add3A_240 = arith.addi %mul3A_238, %add3A_239 : i32
      %mul3A_241 = arith.constant 4 : i32
      %mul3A_242 = arith.muli %add3A_240, %mul3A_241 : i32
      %add3A_243 = arith.addi %mul3A_2, %mul3A_242 : i32
      %dma_wait3A_244 = arith.constant 1 : i32
      %dma_wait3A_245 = arith.constant 1 : i32
      %dma_wait3A_246 = arith.constant 0 : i32
      %dma_wait3A_247 = arith.constant 0 : i32
      %dma_wait3A_248 = tpu.memref_slice %arg5[%dma_wait3A_244, %dma_wait3A_246, %dma_wait3A_247] : memref<2x4x128xi32, #tpu.memory_space<vmem>> -> memref<1x4x128xi32, #tpu.memory_space<vmem>>
      %dma_wait3A_249 = tpu.memref_squeeze %dma_wait3A_248 : memref<1x4x128xi32, #tpu.memory_space<vmem>> -> memref<4x128xi32, #tpu.memory_space<vmem>>
      %dma_wait3A_250 = arith.constant 0 : i32
      %dma_wait3A_251 = tpu.memref_slice %arg2[%add3A_243, %dma_wait3A_250] : memref<6400x128xi32, #tpu.memory_space<hbm>> -> memref<4x128xi32, #tpu.memory_space<hbm>>
      %dma_wait3A_252 = tpu.memref_slice %arg7[%dma_wait3A_245] : memref<2x!tpu.dma_semaphore, #tpu.memory_space<semaphore_mem>> -> memref<1x!tpu.dma_semaphore, #tpu.memory_space<semaphore_mem>>
      %dma_wait3A_253 = tpu.memref_squeeze %dma_wait3A_252 : memref<1x!tpu.dma_semaphore, #tpu.memory_space<semaphore_mem>> -> memref<!tpu.dma_semaphore, #tpu.memory_space<semaphore_mem>>
      %dma_wait3A_254 = arith.constant 0 : i32
      %dma_wait3A_255 = arith.constant 0 : i32
      %dma_wait3A_256 = tpu.memref_slice %arg5[%dma_wait3A_244, %dma_wait3A_254, %dma_wait3A_255] : memref<2x4x128xi32, #tpu.memory_space<vmem>> -> memref<1x4x128xi32, #tpu.memory_space<vmem>>
      %dma_wait3A_257 = tpu.memref_squeeze %dma_wait3A_256 : memref<1x4x128xi32, #tpu.memory_space<vmem>> -> memref<4x128xi32, #tpu.memory_space<vmem>>
      %dma_wait3A_258 = arith.constant 0 : i32
      %dma_wait3A_259 = tpu.memref_slice %arg2[%add3A_243, %dma_wait3A_258] : memref<6400x128xi32, #tpu.memory_space<hbm>> -> memref<4x128xi32, #tpu.memory_space<hbm>>
      tpu.wait_dma2 semaphore(%dma_wait3A_253 : memref<!tpu.dma_semaphore, #tpu.memory_space<semaphore_mem>>) src(%dma_wait3A_259 : memref<4x128xi32, #tpu.memory_space<hbm>>) dst(%dma_wait3A_257 : memref<4x128xi32, #tpu.memory_space<vmem>>)
      %gt3A_260 = arith.constant 0 : i32
      %gt3A_261 = arith.cmpi sgt, %scan3A_82, %gt3A_260 : i32
      %convert_element_type3A_262 = arith.extui %gt3A_261 : i1 to i32
      %cond3A_263 = arith.constant 0 : i32
      %cond3A_264 = arith.cmpi ne, %convert_element_type3A_262, %cond3A_263 : i32
      scf.if %cond3A_264 {
        %mul3A_395 = arith.constant 4 : i32
        %mul3A_396 = arith.muli %add3A_240, %mul3A_395 : i32
        %add3A_397 = arith.addi %mul3A_2, %mul3A_396 : i32
        %mul3A_398 = arith.constant 128 : i32
        %mul3A_399 = arith.muli %add3A_397, %mul3A_398 : i32
        %dma_wait3A_400 = arith.constant 1 : i32
        %dma_wait3A_401 = arith.constant 1 : i32
        %dma_wait3A_402 = arith.constant 0 : i32
        %dma_wait3A_403 = arith.constant 0 : i32
        %dma_wait3A_404 = tpu.memref_slice %arg6[%dma_wait3A_400, %dma_wait3A_402, %dma_wait3A_403] : memref<2x512x64xf32, #tpu.memory_space<vmem>> -> memref<1x512x64xf32, #tpu.memory_space<vmem>>
        %dma_wait3A_405 = tpu.memref_squeeze %dma_wait3A_404 : memref<1x512x64xf32, #tpu.memory_space<vmem>> -> memref<512x64xf32, #tpu.memory_space<vmem>>
        %dma_wait3A_406 = arith.constant 64 : i32
        %dma_wait3A_407 = tpu.memref_slice %arg4[%mul3A_399, %dma_wait3A_406] : memref<819200x128xf32, #tpu.memory_space<hbm>> -> memref<512x64xf32, #tpu.memory_space<hbm>>
        %dma_wait3A_408 = tpu.memref_slice %arg9[%dma_wait3A_401] : memref<2x!tpu.dma_semaphore, #tpu.memory_space<semaphore_mem>> -> memref<1x!tpu.dma_semaphore, #tpu.memory_space<semaphore_mem>>
        %dma_wait3A_409 = tpu.memref_squeeze %dma_wait3A_408 : memref<1x!tpu.dma_semaphore, #tpu.memory_space<semaphore_mem>> -> memref<!tpu.dma_semaphore, #tpu.memory_space<semaphore_mem>>
        %dma_wait3A_410 = arith.constant 64 : i32
        %dma_wait3A_411 = tpu.memref_slice %arg4[%mul3A_399, %dma_wait3A_410] : memref<819200x128xf32, #tpu.memory_space<hbm>> -> memref<512x64xf32, #tpu.memory_space<hbm>>
        %dma_wait3A_412 = arith.constant 0 : i32
        %dma_wait3A_413 = arith.constant 0 : i32
        %dma_wait3A_414 = tpu.memref_slice %arg6[%dma_wait3A_400, %dma_wait3A_412, %dma_wait3A_413] : memref<2x512x64xf32, #tpu.memory_space<vmem>> -> memref<1x512x64xf32, #tpu.memory_space<vmem>>
        %dma_wait3A_415 = tpu.memref_squeeze %dma_wait3A_414 : memref<1x512x64xf32, #tpu.memory_space<vmem>> -> memref<512x64xf32, #tpu.memory_space<vmem>>
        tpu.wait_dma2 semaphore(%dma_wait3A_409 : memref<!tpu.dma_semaphore, #tpu.memory_space<semaphore_mem>>) src(%dma_wait3A_415 : memref<512x64xf32, #tpu.memory_space<vmem>>) dst(%dma_wait3A_411 : memref<512x64xf32, #tpu.memory_space<hbm>>)
      } else {
      }
      %dma_start3A_265 = arith.constant 1 : i32
      %dma_start3A_266 = arith.constant 0 : i32
      %dma_start3A_267 = arith.constant 1 : i32
      %dma_start3A_268 = arith.constant 0 : i32
      %dma_start3A_269 = arith.constant 0 : i32
      %dma_start3A_270 = tpu.memref_slice %arg6[%dma_start3A_267, %dma_start3A_268, %dma_start3A_269] : memref<2x512x64xf32, #tpu.memory_space<vmem>> -> memref<1x128x64xf32, #tpu.memory_space<vmem>>
      %dma_start3A_271 = tpu.memref_squeeze %dma_start3A_270 : memref<1x128x64xf32, #tpu.memory_space<vmem>> -> memref<128x64xf32, #tpu.memory_space<vmem>>
      %dma_start3A_272 = arith.constant 0 : i32
      %dma_start3A_273 = tpu.memref_slice %arg5[%dma_start3A_265, %dma_start3A_266, %dma_start3A_272] : memref<2x4x128xi32, #tpu.memory_space<vmem>> -> memref<1x1x128xi32, #tpu.memory_space<vmem>>
      %dma_start3A_274 = tpu.memref_squeeze %dma_start3A_273 : memref<1x1x128xi32, #tpu.memory_space<vmem>> -> memref<128xi32, #tpu.memory_space<vmem>>
      %dma_start3A_275 = arith.constant 0 : i32
      %dma_start3A_276 = arith.constant 0 : i32
      %dma_start3A_277 = tpu.memref_slice %arg3[%dma_start3A_275, %dma_start3A_276] : memref<16384x64xf32, #tpu.memory_space<hbm>> -> memref<16384x64xf32, #tpu.memory_space<hbm>>
      tpu.enqueue_indirect_dma source(%dma_start3A_277 : memref<16384x64xf32, #tpu.memory_space<hbm>>) target(%dma_start3A_271 : memref<128x64xf32, #tpu.memory_space<vmem>>) offsets(%dma_start3A_274 : memref<128xi32, #tpu.memory_space<vmem>>) semaphore(%arg8 : memref<!tpu.dma_semaphore, #tpu.memory_space<semaphore_mem>>)
      %dma_start3A_278 = arith.constant 1 : i32
      %dma_start3A_279 = arith.constant 1 : i32
      %dma_start3A_280 = arith.constant 1 : i32
      %dma_start3A_281 = arith.constant 128 : i32
      %dma_start3A_282 = arith.constant 0 : i32
      %dma_start3A_283 = tpu.memref_slice %arg6[%dma_start3A_280, %dma_start3A_281, %dma_start3A_282] : memref<2x512x64xf32, #tpu.memory_space<vmem>> -> memref<1x128x64xf32, #tpu.memory_space<vmem>>
      %dma_start3A_284 = tpu.memref_squeeze %dma_start3A_283 : memref<1x128x64xf32, #tpu.memory_space<vmem>> -> memref<128x64xf32, #tpu.memory_space<vmem>>
      %dma_start3A_285 = arith.constant 0 : i32
      %dma_start3A_286 = tpu.memref_slice %arg5[%dma_start3A_278, %dma_start3A_279, %dma_start3A_285] : memref<2x4x128xi32, #tpu.memory_space<vmem>> -> memref<1x1x128xi32, #tpu.memory_space<vmem>>
      %dma_start3A_287 = tpu.memref_squeeze %dma_start3A_286 : memref<1x1x128xi32, #tpu.memory_space<vmem>> -> memref<128xi32, #tpu.memory_space<vmem>>
      %dma_start3A_288 = arith.constant 0 : i32
      %dma_start3A_289 = arith.constant 0 : i32
      %dma_start3A_290 = tpu.memref_slice %arg3[%dma_start3A_288, %dma_start3A_289] : memref<16384x64xf32, #tpu.memory_space<hbm>> -> memref<16384x64xf32, #tpu.memory_space<hbm>>
      tpu.enqueue_indirect_dma source(%dma_start3A_290 : memref<16384x64xf32, #tpu.memory_space<hbm>>) target(%dma_start3A_284 : memref<128x64xf32, #tpu.memory_space<vmem>>) offsets(%dma_start3A_287 : memref<128xi32, #tpu.memory_space<vmem>>) semaphore(%arg8 : memref<!tpu.dma_semaphore, #tpu.memory_space<semaphore_mem>>)
      %dma_start3A_291 = arith.constant 1 : i32
      %dma_start3A_292 = arith.constant 2 : i32
      %dma_start3A_293 = arith.constant 1 : i32
      %dma_start3A_294 = arith.constant 256 : i32
      %dma_start3A_295 = arith.constant 0 : i32
      %dma_start3A_296 = tpu.memref_slice %arg6[%dma_start3A_293, %dma_start3A_294, %dma_start3A_295] : memref<2x512x64xf32, #tpu.memory_space<vmem>> -> memref<1x128x64xf32, #tpu.memory_space<vmem>>
      %dma_start3A_297 = tpu.memref_squeeze %dma_start3A_296 : memref<1x128x64xf32, #tpu.memory_space<vmem>> -> memref<128x64xf32, #tpu.memory_space<vmem>>
      %dma_start3A_298 = arith.constant 0 : i32
      %dma_start3A_299 = tpu.memref_slice %arg5[%dma_start3A_291, %dma_start3A_292, %dma_start3A_298] : memref<2x4x128xi32, #tpu.memory_space<vmem>> -> memref<1x1x128xi32, #tpu.memory_space<vmem>>
      %dma_start3A_300 = tpu.memref_squeeze %dma_start3A_299 : memref<1x1x128xi32, #tpu.memory_space<vmem>> -> memref<128xi32, #tpu.memory_space<vmem>>
      %dma_start3A_301 = arith.constant 0 : i32
      %dma_start3A_302 = arith.constant 0 : i32
      %dma_start3A_303 = tpu.memref_slice %arg3[%dma_start3A_301, %dma_start3A_302] : memref<16384x64xf32, #tpu.memory_space<hbm>> -> memref<16384x64xf32, #tpu.memory_space<hbm>>
      tpu.enqueue_indirect_dma source(%dma_start3A_303 : memref<16384x64xf32, #tpu.memory_space<hbm>>) target(%dma_start3A_297 : memref<128x64xf32, #tpu.memory_space<vmem>>) offsets(%dma_start3A_300 : memref<128xi32, #tpu.memory_space<vmem>>) semaphore(%arg8 : memref<!tpu.dma_semaphore, #tpu.memory_space<semaphore_mem>>)
      %dma_start3A_304 = arith.constant 1 : i32
      %dma_start3A_305 = arith.constant 3 : i32
      %dma_start3A_306 = arith.constant 1 : i32
      %dma_start3A_307 = arith.constant 384 : i32
      %dma_start3A_308 = arith.constant 0 : i32
      %dma_start3A_309 = tpu.memref_slice %arg6[%dma_start3A_306, %dma_start3A_307, %dma_start3A_308] : memref<2x512x64xf32, #tpu.memory_space<vmem>> -> memref<1x128x64xf32, #tpu.memory_space<vmem>>
      %dma_start3A_310 = tpu.memref_squeeze %dma_start3A_309 : memref<1x128x64xf32, #tpu.memory_space<vmem>> -> memref<128x64xf32, #tpu.memory_space<vmem>>
      %dma_start3A_311 = arith.constant 0 : i32
      %dma_start3A_312 = tpu.memref_slice %arg5[%dma_start3A_304, %dma_start3A_305, %dma_start3A_311] : memref<2x4x128xi32, #tpu.memory_space<vmem>> -> memref<1x1x128xi32, #tpu.memory_space<vmem>>
      %dma_start3A_313 = tpu.memref_squeeze %dma_start3A_312 : memref<1x1x128xi32, #tpu.memory_space<vmem>> -> memref<128xi32, #tpu.memory_space<vmem>>
      %dma_start3A_314 = arith.constant 0 : i32
      %dma_start3A_315 = arith.constant 0 : i32
      %dma_start3A_316 = tpu.memref_slice %arg3[%dma_start3A_314, %dma_start3A_315] : memref<16384x64xf32, #tpu.memory_space<hbm>> -> memref<16384x64xf32, #tpu.memory_space<hbm>>
      tpu.enqueue_indirect_dma source(%dma_start3A_316 : memref<16384x64xf32, #tpu.memory_space<hbm>>) target(%dma_start3A_310 : memref<128x64xf32, #tpu.memory_space<vmem>>) offsets(%dma_start3A_313 : memref<128xi32, #tpu.memory_space<vmem>>) semaphore(%arg8 : memref<!tpu.dma_semaphore, #tpu.memory_space<semaphore_mem>>)
      %dma_wait3A_317 = arith.constant 1 : i32
      %dma_wait3A_318 = arith.constant 0 : i32
      %dma_wait3A_319 = arith.constant 1 : i32
      %dma_wait3A_320 = arith.constant 0 : i32
      %dma_wait3A_321 = arith.constant 0 : i32
      %dma_wait3A_322 = tpu.memref_slice %arg6[%dma_wait3A_319, %dma_wait3A_320, %dma_wait3A_321] : memref<2x512x64xf32, #tpu.memory_space<vmem>> -> memref<1x128x64xf32, #tpu.memory_space<vmem>>
      %dma_wait3A_323 = tpu.memref_squeeze %dma_wait3A_322 : memref<1x128x64xf32, #tpu.memory_space<vmem>> -> memref<128x64xf32, #tpu.memory_space<vmem>>
      %dma_wait3A_324 = arith.constant 0 : i32
      %dma_wait3A_325 = tpu.memref_slice %arg5[%dma_wait3A_317, %dma_wait3A_318, %dma_wait3A_324] : memref<2x4x128xi32, #tpu.memory_space<vmem>> -> memref<1x1x128xi32, #tpu.memory_space<vmem>>
      %dma_wait3A_326 = tpu.memref_squeeze %dma_wait3A_325 : memref<1x1x128xi32, #tpu.memory_space<vmem>> -> memref<128xi32, #tpu.memory_space<vmem>>
      %dma_wait3A_327 = arith.constant 0 : i32
      %dma_wait3A_328 = arith.constant 0 : i32
      %dma_wait3A_329 = tpu.memref_slice %arg3[%dma_wait3A_327, %dma_wait3A_328] : memref<16384x64xf32, #tpu.memory_space<hbm>> -> memref<16384x64xf32, #tpu.memory_space<hbm>>
      tpu.wait_indirect_dma semaphore(%arg8 : memref<!tpu.dma_semaphore, #tpu.memory_space<semaphore_mem>>) src(%dma_wait3A_329 : memref<16384x64xf32, #tpu.memory_space<hbm>>) dst(%dma_wait3A_323 : memref<128x64xf32, #tpu.memory_space<vmem>>)
      %dma_wait3A_330 = arith.constant 1 : i32
      %dma_wait3A_331 = arith.constant 1 : i32
      %dma_wait3A_332 = arith.constant 1 : i32
      %dma_wait3A_333 = arith.constant 128 : i32
      %dma_wait3A_334 = arith.constant 0 : i32
      %dma_wait3A_335 = tpu.memref_slice %arg6[%dma_wait3A_332, %dma_wait3A_333, %dma_wait3A_334] : memref<2x512x64xf32, #tpu.memory_space<vmem>> -> memref<1x128x64xf32, #tpu.memory_space<vmem>>
      %dma_wait3A_336 = tpu.memref_squeeze %dma_wait3A_335 : memref<1x128x64xf32, #tpu.memory_space<vmem>> -> memref<128x64xf32, #tpu.memory_space<vmem>>
      %dma_wait3A_337 = arith.constant 0 : i32
      %dma_wait3A_338 = tpu.memref_slice %arg5[%dma_wait3A_330, %dma_wait3A_331, %dma_wait3A_337] : memref<2x4x128xi32, #tpu.memory_space<vmem>> -> memref<1x1x128xi32, #tpu.memory_space<vmem>>
      %dma_wait3A_339 = tpu.memref_squeeze %dma_wait3A_338 : memref<1x1x128xi32, #tpu.memory_space<vmem>> -> memref<128xi32, #tpu.memory_space<vmem>>
      %dma_wait3A_340 = arith.constant 0 : i32
      %dma_wait3A_341 = arith.constant 0 : i32
      %dma_wait3A_342 = tpu.memref_slice %arg3[%dma_wait3A_340, %dma_wait3A_341] : memref<16384x64xf32, #tpu.memory_space<hbm>> -> memref<16384x64xf32, #tpu.memory_space<hbm>>
      tpu.wait_indirect_dma semaphore(%arg8 : memref<!tpu.dma_semaphore, #tpu.memory_space<semaphore_mem>>) src(%dma_wait3A_342 : memref<16384x64xf32, #tpu.memory_space<hbm>>) dst(%dma_wait3A_336 : memref<128x64xf32, #tpu.memory_space<vmem>>)
      %dma_wait3A_343 = arith.constant 1 : i32
      %dma_wait3A_344 = arith.constant 2 : i32
      %dma_wait3A_345 = arith.constant 1 : i32
      %dma_wait3A_346 = arith.constant 256 : i32
      %dma_wait3A_347 = arith.constant 0 : i32
      %dma_wait3A_348 = tpu.memref_slice %arg6[%dma_wait3A_345, %dma_wait3A_346, %dma_wait3A_347] : memref<2x512x64xf32, #tpu.memory_space<vmem>> -> memref<1x128x64xf32, #tpu.memory_space<vmem>>
      %dma_wait3A_349 = tpu.memref_squeeze %dma_wait3A_348 : memref<1x128x64xf32, #tpu.memory_space<vmem>> -> memref<128x64xf32, #tpu.memory_space<vmem>>
      %dma_wait3A_350 = arith.constant 0 : i32
      %dma_wait3A_351 = tpu.memref_slice %arg5[%dma_wait3A_343, %dma_wait3A_344, %dma_wait3A_350] : memref<2x4x128xi32, #tpu.memory_space<vmem>> -> memref<1x1x128xi32, #tpu.memory_space<vmem>>
      %dma_wait3A_352 = tpu.memref_squeeze %dma_wait3A_351 : memref<1x1x128xi32, #tpu.memory_space<vmem>> -> memref<128xi32, #tpu.memory_space<vmem>>
      %dma_wait3A_353 = arith.constant 0 : i32
      %dma_wait3A_354 = arith.constant 0 : i32
      %dma_wait3A_355 = tpu.memref_slice %arg3[%dma_wait3A_353, %dma_wait3A_354] : memref<16384x64xf32, #tpu.memory_space<hbm>> -> memref<16384x64xf32, #tpu.memory_space<hbm>>
      tpu.wait_indirect_dma semaphore(%arg8 : memref<!tpu.dma_semaphore, #tpu.memory_space<semaphore_mem>>) src(%dma_wait3A_355 : memref<16384x64xf32, #tpu.memory_space<hbm>>) dst(%dma_wait3A_349 : memref<128x64xf32, #tpu.memory_space<vmem>>)
      %dma_wait3A_356 = arith.constant 1 : i32
      %dma_wait3A_357 = arith.constant 3 : i32
      %dma_wait3A_358 = arith.constant 1 : i32
      %dma_wait3A_359 = arith.constant 384 : i32
      %dma_wait3A_360 = arith.constant 0 : i32
      %dma_wait3A_361 = tpu.memref_slice %arg6[%dma_wait3A_358, %dma_wait3A_359, %dma_wait3A_360] : memref<2x512x64xf32, #tpu.memory_space<vmem>> -> memref<1x128x64xf32, #tpu.memory_space<vmem>>
      %dma_wait3A_362 = tpu.memref_squeeze %dma_wait3A_361 : memref<1x128x64xf32, #tpu.memory_space<vmem>> -> memref<128x64xf32, #tpu.memory_space<vmem>>
      %dma_wait3A_363 = arith.constant 0 : i32
      %dma_wait3A_364 = tpu.memref_slice %arg5[%dma_wait3A_356, %dma_wait3A_357, %dma_wait3A_363] : memref<2x4x128xi32, #tpu.memory_space<vmem>> -> memref<1x1x128xi32, #tpu.memory_space<vmem>>
      %dma_wait3A_365 = tpu.memref_squeeze %dma_wait3A_364 : memref<1x1x128xi32, #tpu.memory_space<vmem>> -> memref<128xi32, #tpu.memory_space<vmem>>
      %dma_wait3A_366 = arith.constant 0 : i32
      %dma_wait3A_367 = arith.constant 0 : i32
      %dma_wait3A_368 = tpu.memref_slice %arg3[%dma_wait3A_366, %dma_wait3A_367] : memref<16384x64xf32, #tpu.memory_space<hbm>> -> memref<16384x64xf32, #tpu.memory_space<hbm>>
      tpu.wait_indirect_dma semaphore(%arg8 : memref<!tpu.dma_semaphore, #tpu.memory_space<semaphore_mem>>) src(%dma_wait3A_368 : memref<16384x64xf32, #tpu.memory_space<hbm>>) dst(%dma_wait3A_362 : memref<128x64xf32, #tpu.memory_space<vmem>>)
      %lt3A_369 = arith.constant 24 : i32
      %lt3A_370 = arith.cmpi slt, %scan3A_82, %lt3A_369 : i32
      %convert_element_type3A_371 = arith.extui %lt3A_370 : i1 to i32
      %cond3A_372 = arith.constant 0 : i32
      %cond3A_373 = arith.cmpi ne, %convert_element_type3A_371, %cond3A_372 : i32
      scf.if %cond3A_373 {
        %add3A_395 = arith.constant 2 : i32
        %add3A_396 = arith.addi %add3A_240, %add3A_395 : i32
        %mul3A_397 = arith.constant 4 : i32
        %mul3A_398 = arith.muli %add3A_396, %mul3A_397 : i32
        %add3A_399 = arith.addi %mul3A_2, %mul3A_398 : i32
        %dma_start3A_400 = arith.constant 1 : i32
        %dma_start3A_401 = arith.constant 1 : i32
        %dma_start3A_402 = arith.constant 0 : i32
        %dma_start3A_403 = arith.constant 0 : i32
        %dma_start3A_404 = tpu.memref_slice %arg5[%dma_start3A_400, %dma_start3A_402, %dma_start3A_403] : memref<2x4x128xi32, #tpu.memory_space<vmem>> -> memref<1x4x128xi32, #tpu.memory_space<vmem>>
        %dma_start3A_405 = tpu.memref_squeeze %dma_start3A_404 : memref<1x4x128xi32, #tpu.memory_space<vmem>> -> memref<4x128xi32, #tpu.memory_space<vmem>>
        %dma_start3A_406 = arith.constant 0 : i32
        %dma_start3A_407 = tpu.memref_slice %arg2[%add3A_399, %dma_start3A_406] : memref<6400x128xi32, #tpu.memory_space<hbm>> -> memref<4x128xi32, #tpu.memory_space<hbm>>
        %dma_start3A_408 = tpu.memref_slice %arg7[%dma_start3A_401] : memref<2x!tpu.dma_semaphore, #tpu.memory_space<semaphore_mem>> -> memref<1x!tpu.dma_semaphore, #tpu.memory_space<semaphore_mem>>
        %dma_start3A_409 = tpu.memref_squeeze %dma_start3A_408 : memref<1x!tpu.dma_semaphore, #tpu.memory_space<semaphore_mem>> -> memref<!tpu.dma_semaphore, #tpu.memory_space<semaphore_mem>>
        %dma_start3A_410 = arith.constant 0 : i32
        %dma_start3A_411 = arith.constant 0 : i32
        %dma_start3A_412 = tpu.memref_slice %arg5[%dma_start3A_400, %dma_start3A_410, %dma_start3A_411] : memref<2x4x128xi32, #tpu.memory_space<vmem>> -> memref<1x4x128xi32, #tpu.memory_space<vmem>>
        %dma_start3A_413 = tpu.memref_squeeze %dma_start3A_412 : memref<1x4x128xi32, #tpu.memory_space<vmem>> -> memref<4x128xi32, #tpu.memory_space<vmem>>
        %dma_start3A_414 = arith.constant 0 : i32
        %dma_start3A_415 = tpu.memref_slice %arg2[%add3A_399, %dma_start3A_414] : memref<6400x128xi32, #tpu.memory_space<hbm>> -> memref<4x128xi32, #tpu.memory_space<hbm>>
        tpu.enqueue_dma source(%dma_start3A_415 : memref<4x128xi32, #tpu.memory_space<hbm>>) target(%dma_start3A_413 : memref<4x128xi32, #tpu.memory_space<vmem>>) target_semaphore(%dma_start3A_409 : memref<!tpu.dma_semaphore, #tpu.memory_space<semaphore_mem>>)
      } else {
      }
      %mul3A_374 = arith.constant 4 : i32
      %mul3A_375 = arith.muli %add3A_240, %mul3A_374 : i32
      %add3A_376 = arith.addi %mul3A_2, %mul3A_375 : i32
      %mul3A_377 = arith.constant 128 : i32
      %mul3A_378 = arith.muli %add3A_376, %mul3A_377 : i32
      %dma_start3A_379 = arith.constant 1 : i32
      %dma_start3A_380 = arith.constant 1 : i32
      %dma_start3A_381 = arith.constant 0 : i32
      %dma_start3A_382 = arith.constant 0 : i32
      %dma_start3A_383 = tpu.memref_slice %arg6[%dma_start3A_379, %dma_start3A_381, %dma_start3A_382] : memref<2x512x64xf32, #tpu.memory_space<vmem>> -> memref<1x512x64xf32, #tpu.memory_space<vmem>>
      %dma_start3A_384 = tpu.memref_squeeze %dma_start3A_383 : memref<1x512x64xf32, #tpu.memory_space<vmem>> -> memref<512x64xf32, #tpu.memory_space<vmem>>
      %dma_start3A_385 = arith.constant 64 : i32
      %dma_start3A_386 = tpu.memref_slice %arg4[%mul3A_378, %dma_start3A_385] : memref<819200x128xf32, #tpu.memory_space<hbm>> -> memref<512x64xf32, #tpu.memory_space<hbm>>
      %dma_start3A_387 = tpu.memref_slice %arg9[%dma_start3A_380] : memref<2x!tpu.dma_semaphore, #tpu.memory_space<semaphore_mem>> -> memref<1x!tpu.dma_semaphore, #tpu.memory_space<semaphore_mem>>
      %dma_start3A_388 = tpu.memref_squeeze %dma_start3A_387 : memref<1x!tpu.dma_semaphore, #tpu.memory_space<semaphore_mem>> -> memref<!tpu.dma_semaphore, #tpu.memory_space<semaphore_mem>>
      %dma_start3A_389 = arith.constant 64 : i32
      %dma_start3A_390 = tpu.memref_slice %arg4[%mul3A_378, %dma_start3A_389] : memref<819200x128xf32, #tpu.memory_space<hbm>> -> memref<512x64xf32, #tpu.memory_space<hbm>>
      %dma_start3A_391 = arith.constant 0 : i32
      %dma_start3A_392 = arith.constant 0 : i32
      %dma_start3A_393 = tpu.memref_slice %arg6[%dma_start3A_379, %dma_start3A_391, %dma_start3A_392] : memref<2x512x64xf32, #tpu.memory_space<vmem>> -> memref<1x512x64xf32, #tpu.memory_space<vmem>>
      %dma_start3A_394 = tpu.memref_squeeze %dma_start3A_393 : memref<1x512x64xf32, #tpu.memory_space<vmem>> -> memref<512x64xf32, #tpu.memory_space<vmem>>
      tpu.enqueue_dma source(%dma_start3A_394 : memref<512x64xf32, #tpu.memory_space<vmem>>) target(%dma_start3A_390 : memref<512x64xf32, #tpu.memory_space<hbm>>) target_semaphore(%dma_start3A_388 : memref<!tpu.dma_semaphore, #tpu.memory_space<semaphore_mem>>)
    }
    %scan3A_42 = arith.constant 25 : i32
    %add3A_43 = arith.constant 192 : i32
    %add3A_44 = arith.addi %mul3A_2, %add3A_43 : i32
    %mul3A_45 = arith.constant 128 : i32
    %mul3A_46 = arith.muli %add3A_44, %mul3A_45 : i32
    %dma_wait3A = arith.constant 0 : i32
    %dma_wait3A_47 = arith.constant 0 : i32
    %dma_wait3A_48 = arith.constant 0 : i32
    %dma_wait3A_49 = arith.constant 0 : i32
    %dma_wait3A_50 = tpu.memref_slice %arg6[%dma_wait3A, %dma_wait3A_48, %dma_wait3A_49] : memref<2x512x64xf32, #tpu.memory_space<vmem>> -> memref<1x512x64xf32, #tpu.memory_space<vmem>>
    %dma_wait3A_51 = tpu.memref_squeeze %dma_wait3A_50 : memref<1x512x64xf32, #tpu.memory_space<vmem>> -> memref<512x64xf32, #tpu.memory_space<vmem>>
    %dma_wait3A_52 = arith.constant 64 : i32
    %dma_wait3A_53 = tpu.memref_slice %arg4[%mul3A_46, %dma_wait3A_52] : memref<819200x128xf32, #tpu.memory_space<hbm>> -> memref<512x64xf32, #tpu.memory_space<hbm>>
    %dma_wait3A_54 = tpu.memref_slice %arg9[%dma_wait3A_47] : memref<2x!tpu.dma_semaphore, #tpu.memory_space<semaphore_mem>> -> memref<1x!tpu.dma_semaphore, #tpu.memory_space<semaphore_mem>>
    %dma_wait3A_55 = tpu.memref_squeeze %dma_wait3A_54 : memref<1x!tpu.dma_semaphore, #tpu.memory_space<semaphore_mem>> -> memref<!tpu.dma_semaphore, #tpu.memory_space<semaphore_mem>>
    %dma_wait3A_56 = arith.constant 64 : i32
    %dma_wait3A_57 = tpu.memref_slice %arg4[%mul3A_46, %dma_wait3A_56] : memref<819200x128xf32, #tpu.memory_space<hbm>> -> memref<512x64xf32, #tpu.memory_space<hbm>>
    %dma_wait3A_58 = arith.constant 0 : i32
    %dma_wait3A_59 = arith.constant 0 : i32
    %dma_wait3A_60 = tpu.memref_slice %arg6[%dma_wait3A, %dma_wait3A_58, %dma_wait3A_59] : memref<2x512x64xf32, #tpu.memory_space<vmem>> -> memref<1x512x64xf32, #tpu.memory_space<vmem>>
    %dma_wait3A_61 = tpu.memref_squeeze %dma_wait3A_60 : memref<1x512x64xf32, #tpu.memory_space<vmem>> -> memref<512x64xf32, #tpu.memory_space<vmem>>
    tpu.wait_dma2 semaphore(%dma_wait3A_55 : memref<!tpu.dma_semaphore, #tpu.memory_space<semaphore_mem>>) src(%dma_wait3A_61 : memref<512x64xf32, #tpu.memory_space<vmem>>) dst(%dma_wait3A_57 : memref<512x64xf32, #tpu.memory_space<hbm>>)
    %add3A_62 = arith.constant 196 : i32
    %add3A_63 = arith.addi %mul3A_2, %add3A_62 : i32
    %mul3A_64 = arith.constant 128 : i32
    %mul3A_65 = arith.muli %add3A_63, %mul3A_64 : i32
    %dma_wait3A_66 = arith.constant 1 : i32
    %dma_wait3A_67 = arith.constant 1 : i32
    %dma_wait3A_68 = arith.constant 0 : i32
    %dma_wait3A_69 = arith.constant 0 : i32
    %dma_wait3A_70 = tpu.memref_slice %arg6[%dma_wait3A_66, %dma_wait3A_68, %dma_wait3A_69] : memref<2x512x64xf32, #tpu.memory_space<vmem>> -> memref<1x512x64xf32, #tpu.memory_space<vmem>>
    %dma_wait3A_71 = tpu.memref_squeeze %dma_wait3A_70 : memref<1x512x64xf32, #tpu.memory_space<vmem>> -> memref<512x64xf32, #tpu.memory_space<vmem>>
    %dma_wait3A_72 = arith.constant 64 : i32
    %dma_wait3A_73 = tpu.memref_slice %arg4[%mul3A_65, %dma_wait3A_72] : memref<819200x128xf32, #tpu.memory_space<hbm>> -> memref<512x64xf32, #tpu.memory_space<hbm>>
    %dma_wait3A_74 = tpu.memref_slice %arg9[%dma_wait3A_67] : memref<2x!tpu.dma_semaphore, #tpu.memory_space<semaphore_mem>> -> memref<1x!tpu.dma_semaphore, #tpu.memory_space<semaphore_mem>>
    %dma_wait3A_75 = tpu.memref_squeeze %dma_wait3A_74 : memref<1x!tpu.dma_semaphore, #tpu.memory_space<semaphore_mem>> -> memref<!tpu.dma_semaphore, #tpu.memory_space<semaphore_mem>>
    %dma_wait3A_76 = arith.constant 64 : i32
    %dma_wait3A_77 = tpu.memref_slice %arg4[%mul3A_65, %dma_wait3A_76] : memref<819200x128xf32, #tpu.memory_space<hbm>> -> memref<512x64xf32, #tpu.memory_space<hbm>>
    %dma_wait3A_78 = arith.constant 0 : i32
    %dma_wait3A_79 = arith.constant 0 : i32
    %dma_wait3A_80 = tpu.memref_slice %arg6[%dma_wait3A_66, %dma_wait3A_78, %dma_wait3A_79] : memref<2x512x64xf32, #tpu.memory_space<vmem>> -> memref<1x512x64xf32, #tpu.memory_space<vmem>>
    %dma_wait3A_81 = tpu.memref_squeeze %dma_wait3A_80 : memref<1x512x64xf32, #tpu.memory_space<vmem>> -> memref<512x64xf32, #tpu.memory_space<vmem>>
    tpu.wait_dma2 semaphore(%dma_wait3A_75 : memref<!tpu.dma_semaphore, #tpu.memory_space<semaphore_mem>>) src(%dma_wait3A_81 : memref<512x64xf32, #tpu.memory_space<vmem>>) dst(%dma_wait3A_77 : memref<512x64xf32, #tpu.memory_space<hbm>>)
    return
  }
}

module attributes {stable_mosaic.version = 14 : i64} {
  func.func @_transpose_pad_kernel(%arg0: i32, %arg1: memref<64x16384xf32, #tpu.memory_space<vmem>>, %arg2: memref<8192x128xf32, #tpu.memory_space<vmem>>) attributes {dimension_semantics = [#tpu.dimension_semantics<arbitrary>], iteration_bounds = array<i64: 62>, scalar_prefetch = 0 : i64, scratch_operands = 0 : i64, tpu.core_type = #tpu.core_type<tc>, window_params = [{transform_indices = @transform_0, window_bounds = array<i64: 64, 16384>}, {transform_indices = @transform_1, window_bounds = array<i64: 8192, 128>}]} {
    %get3A = arith.constant 0 : index
    %get3A_0 = arith.constant 0 : index
    %get3A_1 = vector.load %arg1[%get3A, %get3A_0] : memref<64x16384xf32, #tpu.memory_space<vmem>>, vector<64x16384xf32>
    %transpose3A = tpu.transpose %get3A_1, [1, 0] : vector<64x16384xf32> -> vector<16384x64xf32>
    %slice3A = vector.extract_strided_slice %transpose3A {offsets = [0, 0], sizes = [8192, 64], strides = [1, 1]} : vector<16384x64xf32> to vector<8192x64xf32>
    %slice3A_2 = vector.extract_strided_slice %transpose3A {offsets = [8192, 0], sizes = [8192, 64], strides = [1, 1]} : vector<16384x64xf32> to vector<8192x64xf32>
    %concatenate3A = tpu.concatenate %slice3A, %slice3A_2 in 1 : vector<8192x64xf32>, vector<8192x64xf32> -> vector<8192x128xf32>
    %swap3A = arith.constant 0 : index
    %swap3A_3 = arith.constant 0 : index
    %swap3A_4 = vector.load %arg2[%swap3A, %swap3A_3] : memref<8192x128xf32, #tpu.memory_space<vmem>>, vector<8192x128xf32>
    tpu.vector_store %arg2[%swap3A, %swap3A_3], %concatenate3A {strides = array<i32>} : memref<8192x128xf32, #tpu.memory_space<vmem>>, vector<8192x128xf32>,
    return
  }
  func.func @transform_0(%arg0: i32) -> (i32, i32) {
    %c0_i32 = arith.constant 0 : i32
    %c0_i32_0 = arith.constant 0 : i32
    return %c0_i32, %arg0 : i32, i32
  }
  func.func @transform_1(%arg0: i32) -> (i32, i32) {
    %c0_i32 = arith.constant 0 : i32
    %c0_i32_0 = arith.constant 0 : i32
    return %arg0, %c0_i32 : i32, i32
  }
}

</mosaic_0001>

<sc_bundles>
// kernel: pos_half.3.cloned.1.call-start
scs
__scs_entry_jumppad:
0x0: {  	(pc) =	sbr.rel $0x88, $3  }
0x1: {  	(tag) =	ssettag $0x0;
	lr =	simm.s32 $0x1  }
0x2: {  	[smem:$0x3F9D] =	sst lr;
	_ =	strace $0xD0000000  }
0x3: {  	_ = 	snop  }
0x4: {  	_ = 	snop  }
0x5: {  	_ = 	snop  }
0x6: {  	_ = 	snop  }
0x7: {  	_ = 	snop  }
__scs_overlays_trampoline_lowered:
0x8: {  	[smem:$0x3FAC] =	sst s0  }
0x9: {  	[smem:$0x3FAD] =	sst s1  }
0xa: {  	[smem:$0x3FAE] =	sst s2  }
0xb: {  	[smem:$0x3FAF] =	sst s3  }
0xc: {  	[smem:$0x3FB0] =	sst s4  }
0xd: {  	[smem:$0x3FB1] =	sst s5  }
0xe: {  	[smem:$0x3FB2] =	sst s6  }
0xf: {  	[smem:$0x3FB3] =	sst s7  }
0x10: {  	[smem:$0x3FB4] =	sst s8  }
0x11: {  	[smem:$0x3FB5] =	sst s9;
	s0 =	simm.s32 @!p0 $0x0  }
0x12: {  	s1 =	sld [smem:$0x3F9B];
	s0 =	simm.s32 @p0 $0x1  }
0x13: {  	[smem:$0x3FB6] =	sst s0;
	s0 =	simm.s32 @!p1 $0x0  }
0x14: {  	s2 =	sld [smem:$0x3F9A];
	s0 =	simm.s32 @p1 $0x1  }
0x15: {  	[smem:$0x3FB7] =	sst s0;
	s0 =	simm.s32 @!p2 $0x0  }
0x16: {  	s3 =	sld [smem:$0x3FDB];
	s0 =	simm.s32 @p2 $0x1  }
0x17: {  	s4 =	simm.s32 $0x1BF5;
	[smem:$0x3FB9] =	sst s0  }
0x18: {  	s0 =	sld [smem:$0x3F9C];
	_ =	swait.ge [sflag:s4], $0x0  }
0x19: {  	s7 =	sld [smem:$0x3F9D]  }
0x1a: {  	s8 =	sadd.s32 $0xFFFFE003, lr  }
0x1b: {  	s9 =	sadd.s32 $0xFFFFFEF7, lr;
	s5 =	simm.s32 $0xFFFFFFFF;
	p2 =	slt.u32 s8, $0xFFFFF086  }
0x1c: {  	p1 =	slt.u32 s9, $0xF7A;
	s5 =	simm.s32 @!p2 $0x0  }
0x1d: {  	s5 =	simm.s32 @p1 $0x1;
	p0 =	seq.s32 s7, s2  }
0x1e: {  	s7 =	smul.u32 @!p0 $0xF7A, s2;
	p2 =	seq.s32 @!p0 s5, $0x0  }
0x1f: {  	s9 =	smul.u32 $0xF7A, s1;
	s8 =	simm.s32 @!p0 $0x1BF5;
	p2 =	por !p2, p0  }
0x20: {  	[sflag:s8] =	ssyncset.s32 @!p0 $0xFFFFF086;
	s6 =	sadd.s32 @!p0 s3, s7;
	s7 =	simm.s32 @!p0 $0x108  }
0x21: {  	s3 =	sadd.s32 s3, s9;
	s6 =	sadd.s32 @!p0 $0x88, s6;
	s7 =	simm.s32 @p2 $0x1082  }
0x22: {  	[simem:s7], [sflag:s8] =	dma.local @!p0 [hbm:s6], $0xF7A  }
0x23: {  	s9 =	sor.u32 $0xD0000000, s2;
	s6 =	simm.s32 $0x108;
	_ =	swait.ge @!p0 [sflag:s8], $0x0  }
0x24: {  	s3 =	sadd.s32 $0x88, s3;
	s6 =	simm.s32 @!p1 $0x1082;
	[sflag:s4] =	ssyncset.s32 $0xFFFFF086  }
0x25: {  	[simem:s6], [sflag:s4] =	dma.local [hbm:s3], $0xF7A  }
0x26: {  	[smem:$0x3F9D] =	sst s1;
	(tag) =	ssettag s2;
	_ =	strace s9  }
0x27: {  	s1 =	sld [smem:$0x3FAD]  }
0x28: {  	s2 =	sld [smem:$0x3FAE]  }
0x29: {  	s4 =	sld [smem:$0x3FB0]  }
0x2a: {  	p0 =	seq.s32 s5, $0x0;
	s5 =	sld [smem:$0x3FB1]  }
0x2b: {  	s6 =	sld [smem:$0x3FB2]  }
0x2c: {  	s7 =	sld [smem:$0x3FB3]  }
0x2d: {  	s3 =	simm.s32 $0x108;
	s8 =	sld [smem:$0x3FB4]  }
0x2e: {  	s3 =	simm.s32 @!p0 $0x1082;
	s9 =	sld [smem:$0x3FB5]  }
0x2f: {  	lr =	sadd.s32 s0, s3;
	s0 =	sld [smem:$0x3FAC]  }
0x30: {  	s3 =	sld [smem:$0x3FAF]  }
0x31: {  	[smem:$0x3FB8] =	sst s10  }
0x32: {  	s10 =	sld [smem:$0x3FB6];
	_ =	sdelay $0x3  }
0x33: {  	p0 =	seq.s32 s10, $0x1;
	s10 =	sld [smem:$0x3FB8];
	_ =	sdelay $0x3  }
0x34: {  	[smem:$0x3FB8] =	sst s10  }
0x35: {  	s10 =	sld [smem:$0x3FB7];
	_ =	sdelay $0x3  }
0x36: {  	p1 =	seq.s32 s10, $0x1;
	s10 =	sld [smem:$0x3FB8];
	_ =	sdelay $0x3  }
0x37: {  	[smem:$0x3FB8] =	sst s10  }
0x38: {  	s10 =	sld [smem:$0x3FB9]  }
0x39: {  	_ = 	snop;
	(pc) =	sbr.ind lr, $3  }
0x3a: {  	_ = 	snop  }
0x3b: {  	_ = 	snop  }
0x3c: {  	p2 =	seq.s32 s10, $0x1;
	s10 =	sld [smem:$0x3FB8]  }
0x3d: {  	_ =	shalt  }
0x3e: {  	_ =	shalt  }
0x3f: {  	_ =	shalt  }
0x40: {  	_ =	shalt  }
0x41: {  	_ =	shalt  }
0x42: {  	_ =	shalt  }
0x43: {  	_ =	shalt  }
0x44: {  	_ =	shalt  }
0x45: {  	_ =	shalt  }
0x46: {  	_ =	shalt  }
0x47: {  	_ =	shalt  }
0x48: {  	_ =	shalt  }
0x49: {  	_ =	shalt  }
0x4a: {  	_ =	shalt  }
0x4b: {  	_ =	shalt  }
0x4c: {  	_ =	shalt  }
0x4d: {  	_ =	shalt  }
0x4e: {  	_ =	shalt  }
0x4f: {  	_ =	shalt  }
0x50: {  	_ =	shalt  }
0x51: {  	_ =	shalt  }
0x52: {  	_ =	shalt  }
0x53: {  	_ =	shalt  }
0x54: {  	_ =	shalt  }
0x55: {  	_ =	shalt  }
0x56: {  	_ =	shalt  }
0x57: {  	_ =	shalt  }
0x58: {  	_ =	shalt  }
0x59: {  	_ =	shalt  }
0x5a: {  	_ =	shalt  }
0x5b: {  	_ =	shalt  }
0x5c: {  	_ =	shalt  }
0x5d: {  	_ =	shalt  }
0x5e: {  	_ =	shalt  }
0x5f: {  	_ =	shalt  }
0x60: {  	_ =	shalt  }
0x61: {  	_ =	shalt  }
0x62: {  	_ =	shalt  }
0x63: {  	_ =	shalt  }
0x64: {  	_ =	shalt  }
0x65: {  	_ =	shalt  }
0x66: {  	_ =	shalt  }
0x67: {  	_ =	shalt  }
0x68: {  	_ =	shalt  }
0x69: {  	_ =	shalt  }
0x6a: {  	_ =	shalt  }
0x6b: {  	_ =	shalt  }
0x6c: {  	_ =	shalt  }
0x6d: {  	_ =	shalt  }
0x6e: {  	_ =	shalt  }
0x6f: {  	_ =	shalt  }
0x70: {  	_ =	shalt  }
0x71: {  	_ =	shalt  }
0x72: {  	_ =	shalt  }
0x73: {  	_ =	shalt  }
0x74: {  	_ =	shalt  }
0x75: {  	_ =	shalt  }
0x76: {  	_ =	shalt  }
0x77: {  	_ =	shalt  }
0x78: {  	_ =	shalt  }
0x79: {  	_ =	shalt  }
0x7a: {  	_ =	shalt  }
0x7b: {  	_ =	shalt  }
0x7c: {  	_ =	shalt  }
0x7d: {  	_ =	shalt  }
0x7e: {  	_ =	shalt  }
0x7f: {  	_ =	shalt  }
0x80: {  	_ =	shalt  }
0x81: {  	_ =	shalt  }
0x82: {  	_ =	shalt  }
0x83: {  	_ =	shalt  }
0x84: {  	_ =	shalt  }
0x85: {  	_ =	shalt  }
0x86: {  	_ =	shalt  }
0x87: {  	_ =	shalt  }
.Lfunc_end0:
.L_simem_size_0:
called_computation_lowered:
.L_overlay_start_0:
0x88: {  	s2 =	sld [smem:$0x3FD9]  }
0x89: {  	s3 =	sld [smem:$0x3FFE];
	_ =	sdelay $0x1  }
0x8a: {  	s1 =	srdreg.scid  }
0x8b: {  	s0 =	sand.u32 $0x1, s1  }
0x8c: {  	s17 =	sshll.u32 s0, $0xA;
	s2 =	sadd.s32 s3, s2  }
0x8d: {  	s2 =	sadd.s32 s2, s17  }
0x8e: {  	[smem:$0x3FC4] =	sst s2  }
0x8f: {  	_ = 	snop  }
0x90: {  	s2 =	sld [smem:$0x3FD0];
	(tm) =	ssettm $0x1  }
0x91: {  	s18 =	sld [smem:$0x3FFB];
	_ =	sdelay $0x3  }
0x92: {  	_ =	strace s18  }
0x93: {  	s3 =	sld [smem:$0x3FFC];
	_ =	sdelay $0x3  }
0x94: {  	_ =	strace s3  }
0x95: {  	s3 =	sld [smem:$0x3FFD];
	_ =	sdelay $0x3  }
0x96: {  	_ =	strace s3  }
0x97: {  	_ =	strace $0x8FFFFFFF  }
0x98: {  	s19 =	sld [smem:$0x3FDB];
	_ =	sdelay $0x1  }
0x99: {  	s4 =	simm.s32 $_scs_section_size  }
0x9a: {  	s5 =	simm.s32 $_size__tile_overlayer_lowered;
	s6 =	simm.s32 $_tile_overlayer_lowered  }
0x9b: {  	s22 =	simm.s32 $0x1BFF;
	s21 =	sshll.u32 s6, $0x1;
	s3 =	sadd.s32 s4, s19  }
0x9c: {  	s7 =	simm.s32 $0x0;
	s20 =	sshll.u32 s5, $0x1;
	s5 =	sadd.s32 s21, s3  }
0x9d: {  	[timem:s7], [sflag:s22] =	dma.local [hbm:s5], s20  }
0x9e: {  	_ =	swait.ge [sflag:s22], s20  }
0x9f: {  	s4 =	ssub.s32 $0x0, s20;
	[sflag:s22] =	ssyncset.done $0x0  }
0xa0: {  	[sflag:s22] =	ssyncadd.s32 s4;
	_ =	sdelay $0x1  }
0xa1: {  	s23 =	simm.s32 $0x1B8B  }
0xa2: {  	_ =	swait.ge [sflag:s23], $0x1  }
0xa3: {  	[sflag:s23] =	ssyncset.done $0x0  }
0xa4: {  	s25 =	simm.s32 $0x1B8E;
	s24 =	sld [smem:$0x3FFE];
	[sflag:s23] =	ssyncadd.s32 $0xFFFFFFFF  }
0xa5: {  	s26 =	simm.s32 $execute0_lowered;
	[smem:$0x3FD2] =	sst s25  }
0xa6: {  	s5 =	sshll.u32 s26, $0x1;
	_ =	strace $0x80000046;
	[dreg:$0x1] =	wrdreg $0xFFFFFFFF  }
0xa7: {  	s28 =	simm.s32 $_size_execute0_lowered;
	s3 =	sadd.s32 s3, s5;
	[dreg:$0x0] =	wrdreg $0x0  }
0xa8: {  	s5 =	sshll.u32 s28, $0x1;
	[dreg:$0x2] =	wrdreg s3  }
0xa9: {  	[dreg:$0x3] =	wrdreg s5  }
0xaa: {  	[dreg:$0x4] =	wrdreg $0xC0  }
0xab: {  	_ =	task [dreg:s7], $0x5FFFF  }
0xac: {  	[dreg:$0x1] =	wrdreg $0xFFFFFFFF  }
0xad: {  	[dreg:$0x0] =	wrdreg $0x60  }
0xae: {  	[dreg:$0x2] =	wrdreg s24  }
0xaf: {  	[dreg:$0x3] =	wrdreg s2  }
0xb0: {  	[dreg:$0x4] =	wrdreg $0x9  }
0xb1: {  	_ =	task.clear_ibuf [dreg:s7], $0x5FFFF;
	_ =	strace $0x90000046  }
0xb2: {  	s29 =	simm.s32 $0x9;
	_ =	strace $0x80000048  }
0xb3: {  	_ =	swait.ge [sflag:s29], $0x1  }
0xb4: {  	[sflag:s29] =	ssyncadd.s32 $0xFFFFFFFF  }
0xb5: {  	_ =	strace $0x90000048  }
0xb6: {  	_ =	sfence  }
0xb7: {  	s30 =	sld [smem:$0x0];
	_ =	sdelay $0x2  }
0xb8: {  	s31 =	sshll.u32 s1, $0xD;
	s1 =	sshrl.u32 s1, $0x2  }
0xb9: {  	s3 =	sand.u32 $0x4000, s31;
	s1 =	sadd.s32 s1, s30  }
0xba: {  	s0 =	sor.u32 s3, s0;
	s1 =	sshll.u32 s1, $0x11  }
0xbb: {  	s0 =	sor.u32 s1, s0  }
0xbc: {  	s0 =	sadd.s32 $0x8F2B, s0  }
0xbd: {  	[sflag:s0] =	ssyncadd.remote.s32 $0x1  }
0xbe: {  	_ =	sfence.sel $0xFFFF  }
0xbf: {  	[dreg:$0x0] =	wrdreg $0xFFFFFFFF;
	(pc) =	sbr.abs _section_cstart, $3  }
0xc0: {  	[dreg:$0x1] =	wrdreg $0xFFFFFFFF  }
0xc1: {  	_ =	task.clear_ibuf [dreg:s7], $0x2FFFF;
	_ =	strace $0x9FFFFFFF  }
0xc2: {  	(tm) =	ssettm $0x7FFFFFFF  }
0xc3: {  	_ =	shalt  }
tec
execute0_lowered:
.L_overlay_start_1:
0x0: {  	(tag) =	ssettag $0x1  }
0x1: {  	s0 =	srdreg.scid;
	s3 =	rddreg [dreg:$0x0]  }
0x2: {  	s8 =	stileid.u32;
	s5 =	rddreg [dreg:$0x1];
	s2 =	simm.s32 $0x0  }
0x3: {  	s11 =	simm.s32 $0x80;
	s12 =	simm.s32 $0x400;
	s31 =	simm.s32 $0x2400  }
0x4: {  	s13 =	simm.s32 $0x100;
	s14 =	simm.s32 $0x4400;
	s15 =	simm.s32 $0x180  }
0x5: {  	s16 =	simm.s32 $0x6400;
	s17 =	simm.s32 $0x3;
	s18 =	simm.s32 $0x40  }
0x6: {  	s19 =	simm.s32 $0x2;
	s20 =	simm.s32 $0x8400;
	s21 =	simm.s32 $0x280  }
0x7: {  	s22 =	simm.s32 $0xA400;
	s29 =	simm.s32 $0x5;
	s30 =	simm.s32 $0x0  }
0x8: {  	s0 =	sand.u32 $0x1, s0;
	s1 =	sshll.u32 s8, $0x1;
	s4 =	smul.u32 $0x640000, s8  }
0x9: {  	[smem:$0x7FF] =	sst s2;
	s8 =	smul.u32 $0x190, s8;
	s9 =	sadd.s32 $0xA00, s3  }
0xa: {  	s3 =	sadd.s32 $0x19A00, s3;
	s1 =	sor.u32 s0, s1;
	s6 =	smul.u32 $0x320000, s0  }
0xb: {  	_ =	strace $0x80000047;
	s7 =	ssub.s32 $0x2, s0;
	s0 =	smul.u32 $0xC8, s0  }
0xc: {  	[dreg:$0x5] =	wrdreg s31;
	s1 =	smul.u32 $0xC80, s1;
	s10 =	sshrl.u32 s7, $0x1  }
0xd: {  	s7 =	ssub.s32 s7, s10;
	s6 =	sadd.s32 s6, s4;
	s0 =	sadd.s32 s0, s8  }
0xe: {  	s10 =	simm.s32 $0x1;
	s23 =	sadd.s32 s9, s1;
	s24 =	sshrl.u32 s6, $0x3  }
0xf: {  	s25 =	sshll.u32 s0, $0xB;
	s0 =	sshll.u32 s0, $0x4;
	s28 =	smax.u32 s7, $0x1  }
0x10: {  	[dreg:$0x6] =	wrdreg s23;
	s4 =	sadd.s32 $0x40, s23;
	s1 =	sadd.s32 s24, s5  }
0x11: {  	s5 =	sadd.s32 s25, s5;
	s0 =	sadd.s32 s9, s0;
	[dreg:$0x8] =	wrdreg s28  }
0x12: {  	s9 =	simm.s32 $0x200;
	s23 =	simm.s32 $0x300;
	s24 =	simm.s32 $0xC400  }
0x13: {  	s25 =	simm.s32 $0x380;
	[dreg:$0x7] =	wrdreg s4;
	s1 =	sadd.s32 $0x8, s1  }
0x14: {  	s26 =	sadd.s32 $0x2008, s5;
	s7 =	sadd.s32 $0xC0, s0;
	[dreg:$0x3] =	wrdreg s1  }
0x15: {  	s8 =	sadd.s32 $0x80, s0;
	[dreg:$0x4] =	wrdreg s26;
	s26 =	simm.s32 $0xE400  }
.LBB2_1:
0x16: {  	s0 =	rddreg [dreg:$0x6]  }
0x17: {  	[tilespmem:s2], [sflag:$0x1] =	stream.linear.gather [hbm4b:s0+s2], $0x200, $0x38;
	[tilespmem:$0x10400] =	vst v63  }
0x18: {  	s4 =	rddreg [dreg:$0x7]  }
0x19: {  	[tilespmem:s9], [sflag:$0x2] =	stream.linear.gather [hbm4b:s4+s2], $0x200, $0x38;
	[tilespmem:$0x10400] =	vst v63  }
0x1a: {  	_ =	swait.ge [sflag:s10], $0x200  }
0x1b: {  	p0 =	por $0x1, $0x1;
	[sflag:s10] =	ssyncset.done $0x0  }
0x1c: {  	s0 =	simm.s32 @!p0 $0x4;
	[sflag:s10] =	ssyncadd.s32 $0xFFFFFE00  }
0x1d: {  	_ =	swait.ge @!p0 [sflag:s0], $0x8000  }
0x1e: {  	[sflag:s0] =	ssyncset.done @!p0 $0x0  }
0x1f: {  	[sflag:s0] =	ssyncadd.s32 @!p0 $0xFFFF8000  }
0x20: {  	[tilespmem:s12], [sflag:$0x3] =	stream.indirect.gather [hbm4b:s3+s11], $0x40, s2, s11, $0xb8;
	[tilespmem:$0x10400] =	vst v63  }
0x21: {  	s5 =	rddreg [dreg:$0x5]  }
0x22: {  	[tilespmem:s5], [sflag:$0x3] =	stream.indirect.gather [hbm4b:s3+s11], $0x40, s11, s11, $0xb8;
	[tilespmem:$0x10400] =	vst v63  }
0x23: {  	_ = 	snop  }
0x24: {  	[tilespmem:s14], [sflag:$0x3] =	stream.indirect.gather [hbm4b:s3+s11], $0x40, s13, s11, $0xb8;
	[tilespmem:$0x10400] =	vst v63  }
0x25: {  	_ = 	snop  }
0x26: {  	[tilespmem:s16], [sflag:$0x3] =	stream.indirect.gather [hbm4b:s3+s11], $0x40, s15, s11, $0xb8;
	[tilespmem:$0x10400] =	vst v63  }
0x27: {  	_ =	swait.ge [sflag:s17], $0x2000  }
0x28: {  	[sflag:s17] =	ssyncset.done $0x0  }
0x29: {  	[sflag:s17] =	ssyncadd.s32 $0xFFFFE000  }
0x2a: {  	_ =	swait.ge [sflag:s17], $0x2000  }
0x2b: {  	[sflag:s17] =	ssyncset.done $0x0  }
0x2c: {  	[sflag:s17] =	ssyncadd.s32 $0xFFFFE000  }
0x2d: {  	_ =	swait.ge [sflag:s17], $0x2000  }
0x2e: {  	[sflag:s17] =	ssyncset.done $0x0  }
0x2f: {  	[sflag:s17] =	ssyncadd.s32 $0xFFFFE000  }
0x30: {  	_ =	swait.ge [sflag:s17], $0x2000  }
0x31: {  	p1 =	por $0x0, $0x0;
	[sflag:s17] =	ssyncset.done $0x0  }
0x32: {  	s1 =	simm.s32 @!p1 $0x0;
	s6 =	rddreg [dreg:$0x3];
	[sflag:s17] =	ssyncadd.s32 $0xFFFFE000  }
0x33: {  	[tilespmem:s1], [sflag:$0x1] =	stream.linear.gather @!p1 [hbm4b:s8+s1], $0x200, $0x38;
	[tilespmem:$0x10400] =	vst v63  }
0x34: {  	s0 =	sadd.s32 $0x0, s6  }
0x35: {  	[hbm4b:s0+s18] =	stream.strided.scatter [tilespmem:s12], [sflag:$0x4], $0x8000, s11, s18, $0x38;
	[tilespmem:$0x10400] =	vst v63  }
0x36: {  	_ =	swait.ge [sflag:s19], $0x200  }
0x37: {  	[sflag:s19] =	ssyncset.done $0x0  }
0x38: {  	s0 =	simm.s32 @!p0 $0x5;
	[sflag:s19] =	ssyncadd.s32 $0xFFFFFE00  }
0x39: {  	_ =	swait.ge @!p0 [sflag:s0], $0x8000  }
0x3a: {  	[sflag:s0] =	ssyncset.done @!p0 $0x0  }
0x3b: {  	[sflag:s0] =	ssyncadd.s32 @!p0 $0xFFFF8000  }
0x3c: {  	[tilespmem:s20], [sflag:$0x3] =	stream.indirect.gather [hbm4b:s3+s11], $0x40, s9, s11, $0xb8;
	[tilespmem:$0x10400] =	vst v63  }
0x3d: {  	_ = 	snop  }
0x3e: {  	[tilespmem:s22], [sflag:$0x3] =	stream.indirect.gather [hbm4b:s3+s11], $0x40, s21, s11, $0xb8;
	[tilespmem:$0x10400] =	vst v63  }
0x3f: {  	_ = 	snop  }
0x40: {  	[tilespmem:s24], [sflag:$0x3] =	stream.indirect.gather [hbm4b:s3+s11], $0x40, s23, s11, $0xb8;
	[tilespmem:$0x10400] =	vst v63  }
0x41: {  	_ = 	snop  }
0x42: {  	[tilespmem:s26], [sflag:$0x3] =	stream.indirect.gather [hbm4b:s3+s11], $0x40, s25, s11, $0xb8;
	[tilespmem:$0x10400] =	vst v63  }
0x43: {  	_ =	swait.ge [sflag:s17], $0x2000  }
0x44: {  	[sflag:s17] =	ssyncset.done $0x0  }
0x45: {  	[sflag:s17] =	ssyncadd.s32 $0xFFFFE000  }
0x46: {  	_ =	swait.ge [sflag:s17], $0x2000  }
0x47: {  	[sflag:s17] =	ssyncset.done $0x0  }
0x48: {  	[sflag:s17] =	ssyncadd.s32 $0xFFFFE000  }
0x49: {  	_ =	swait.ge [sflag:s17], $0x2000  }
0x4a: {  	[sflag:s17] =	ssyncset.done $0x0  }
0x4b: {  	[sflag:s17] =	ssyncadd.s32 $0xFFFFE000  }
0x4c: {  	_ =	swait.ge [sflag:s17], $0x2000  }
0x4d: {  	s31 =	simm.s32 $0x4000;
	[sflag:s17] =	ssyncset.done $0x0  }
0x4e: {  	s5 =	simm.s32 @!p1 $0x200;
	s28 =	rddreg [dreg:$0x4];
	[sflag:s17] =	ssyncadd.s32 $0xFFFFE000  }
0x4f: {  	[tilespmem:s5], [sflag:$0x2] =	stream.linear.gather @!p1 [hbm4b:s7+s1], $0x200, $0x38;
	[tilespmem:$0x10400] =	vst v63  }
0x50: {  	s0 =	sadd.s32 $0x80, s8;
	s5 =	sadd.s32 $0x0, s28;
	s1 =	sadd.s32 $0x80, s7  }
.LBB2_2:
0x51: {  	[hbm4b:s5+s18] =	stream.strided.scatter [tilespmem:s20], [sflag:$0x5], $0x8000, s11, s18, $0x38;
	[tilespmem:$0x10400] =	vst v63  }
0x52: {  	s5 =	smov.u32 s31;
	_ =	swait.ge [sflag:s10], $0x200  }
0x53: {  	p1 =	seq.s32 s5, $0x0;
	[sflag:s10] =	ssyncset.done $0x0  }
0x54: {  	s4 =	simm.s32 @!p1 $0x4;
	[sflag:s10] =	ssyncadd.s32 $0xFFFFFE00  }
0x55: {  	_ =	swait.ge @!p1 [sflag:s4], $0x8000  }
0x56: {  	[sflag:s4] =	ssyncset.done @!p1 $0x0  }
0x57: {  	[sflag:s4] =	ssyncadd.s32 @!p1 $0xFFFF8000  }
0x58: {  	[tilespmem:s12], [sflag:$0x3] =	stream.indirect.gather [hbm4b:s3+s11], $0x40, s2, s11, $0xb8;
	[tilespmem:$0x10400] =	vst v63  }
0x59: {  	s6 =	rddreg [dreg:$0x5]  }
0x5a: {  	[tilespmem:s6], [sflag:$0x3] =	stream.indirect.gather [hbm4b:s3+s11], $0x40, s11, s11, $0xb8;
	[tilespmem:$0x10400] =	vst v63  }
0x5b: {  	_ = 	snop  }
0x5c: {  	[tilespmem:s14], [sflag:$0x3] =	stream.indirect.gather [hbm4b:s3+s11], $0x40, s13, s11, $0xb8;
	[tilespmem:$0x10400] =	vst v63  }
0x5d: {  	_ = 	snop  }
0x5e: {  	[tilespmem:s16], [sflag:$0x3] =	stream.indirect.gather [hbm4b:s3+s11], $0x40, s15, s11, $0xb8;
	[tilespmem:$0x10400] =	vst v63  }
0x5f: {  	_ =	swait.ge [sflag:s17], $0x2000  }
0x60: {  	[sflag:s17] =	ssyncset.done $0x0  }
0x61: {  	[sflag:s17] =	ssyncadd.s32 $0xFFFFE000  }
0x62: {  	_ =	swait.ge [sflag:s17], $0x2000  }
0x63: {  	[sflag:s17] =	ssyncset.done $0x0  }
0x64: {  	[sflag:s17] =	ssyncadd.s32 $0xFFFFE000  }
0x65: {  	_ =	swait.ge [sflag:s17], $0x2000  }
0x66: {  	[sflag:s17] =	ssyncset.done $0x0  }
0x67: {  	[sflag:s17] =	ssyncadd.s32 $0xFFFFE000  }
0x68: {  	_ =	swait.ge [sflag:s17], $0x2000  }
0x69: {  	p2 =	seq.s32 s5, $0x60000;
	[sflag:s17] =	ssyncset.done $0x0  }
0x6a: {  	s6 =	simm.s32 @!p2 $0x0;
	s28 =	rddreg [dreg:$0x3];
	[sflag:s17] =	ssyncadd.s32 $0xFFFFE000  }
0x6b: {  	[tilespmem:s6], [sflag:$0x1] =	stream.linear.gather @!p2 [hbm4b:s0+s6], $0x200, $0x38;
	[tilespmem:$0x10400] =	vst v63  }
0x6c: {  	s4 =	sadd.s32 s5, s28  }
0x6d: {  	[hbm4b:s4+s18] =	stream.strided.scatter [tilespmem:s12], [sflag:$0x4], $0x8000, s11, s18, $0x38;
	[tilespmem:$0x10400] =	vst v63  }
0x6e: {  	_ =	swait.ge [sflag:s19], $0x200  }
0x6f: {  	[sflag:s19] =	ssyncset.done $0x0  }
0x70: {  	s4 =	simm.s32 @!p1 $0x5;
	[sflag:s19] =	ssyncadd.s32 $0xFFFFFE00  }
0x71: {  	_ =	swait.ge @!p1 [sflag:s4], $0x8000  }
0x72: {  	[sflag:s4] =	ssyncset.done @!p1 $0x0  }
0x73: {  	[sflag:s4] =	ssyncadd.s32 @!p1 $0xFFFF8000  }
0x74: {  	[tilespmem:s20], [sflag:$0x3] =	stream.indirect.gather [hbm4b:s3+s11], $0x40, s9, s11, $0xb8;
	[tilespmem:$0x10400] =	vst v63  }
0x75: {  	_ = 	snop  }
0x76: {  	[tilespmem:s22], [sflag:$0x3] =	stream.indirect.gather [hbm4b:s3+s11], $0x40, s21, s11, $0xb8;
	[tilespmem:$0x10400] =	vst v63  }
0x77: {  	_ = 	snop  }
0x78: {  	[tilespmem:s24], [sflag:$0x3] =	stream.indirect.gather [hbm4b:s3+s11], $0x40, s23, s11, $0xb8;
	[tilespmem:$0x10400] =	vst v63  }
0x79: {  	_ = 	snop  }
0x7a: {  	[tilespmem:s26], [sflag:$0x3] =	stream.indirect.gather [hbm4b:s3+s11], $0x40, s25, s11, $0xb8;
	[tilespmem:$0x10400] =	vst v63  }
0x7b: {  	_ =	swait.ge [sflag:s17], $0x2000  }
0x7c: {  	[sflag:s17] =	ssyncset.done $0x0  }
0x7d: {  	[sflag:s17] =	ssyncadd.s32 $0xFFFFE000  }
0x7e: {  	_ =	swait.ge [sflag:s17], $0x2000  }
0x7f: {  	[sflag:s17] =	ssyncset.done $0x0  }
0x80: {  	[sflag:s17] =	ssyncadd.s32 $0xFFFFE000  }
0x81: {  	_ =	swait.ge [sflag:s17], $0x2000  }
0x82: {  	s31 =	sadd.s32 $0x4000, s31;
	[sflag:s17] =	ssyncset.done $0x0  }
0x83: {  	p0 =	sne.s32 s31, $0x64000;
	[sflag:s17] =	ssyncadd.s32 $0xFFFFE000  }
.Ltmp0:
0x84: {  	_ =	swait.ge [sflag:s17], $0x2000;
	(pc) =	sbr.rel @p0 .LBB2_2-.Ltmp0, $4  }
0x85: {  	[sflag:s17] =	ssyncset.done $0x0  }
0x86: {  	s28 =	simm.s32 @!p2 $0x200;
	s4 =	rddreg [dreg:$0x4];
	[sflag:s17] =	ssyncadd.s32 $0xFFFFE000  }
0x87: {  	[tilespmem:s28], [sflag:$0x2] =	stream.linear.gather @!p2 [hbm4b:s1+s6], $0x200, $0x38;
	[tilespmem:$0x10400] =	vst v63  }
0x88: {  	s0 =	sadd.s32 $0x80, s0;
	s5 =	sadd.s32 s5, s4;
	s1 =	sadd.s32 $0x80, s1  }
0x89: {  	[hbm4b:s5+s18] =	stream.strided.scatter [tilespmem:s20], [sflag:$0x5], $0x8000, s11, s18, $0x38;
	[tilespmem:$0x10400] =	vst v63  }
0x8a: {  	s0 =	simm.s32 $0x4  }
0x8b: {  	_ =	swait.ge [sflag:s0], $0x8000  }
0x8c: {  	[sflag:s0] =	ssyncset.done $0x0  }
0x8d: {  	[sflag:s0] =	ssyncadd.s32 $0xFFFF8000  }
0x8e: {  	_ =	swait.ge [sflag:s29], $0x8000  }
0x8f: {  	s30 =	sadd.s32 $0x1, s30;
	s31 =	rddreg [dreg:$0x8]  }
0x90: {  	p0 =	sne.s32 s30, s31  }
.Ltmp1:
0x91: {  	_ = 	snop;
	(pc) =	sbr.rel @p0 .LBB2_1-.Ltmp1, $3  }
0x92: {  	_ =	sdelay $0x1  }
0x93: {  	[sflag:s29] =	ssyncset.done $0x0  }
0x94: {  	[sflag:s29] =	ssyncadd.s32 $0xFFFF8000  }
0x95: {  	_ =	sfence.sel $0x180000  }
0x96: {  	[bflag:$0x0] =	sbarrier.arrive $0xFFFF  }
0x97: {  	_ =	strace $0x90000047  }
0x98: {  	s0 =	stileid.u32;
	[bflag:$0x2] =	sbarrier.arrive $0xFFFF  }
0x99: {  	p0 =	sne.s32 s0, $0x0;
	s0 =	rddreg [dreg:$0x2]  }
0x9a: {  	s0 =	sadd.s32 @!p0 $0x100000, s0  }
0x9b: {  	[sflag:s0] =	ssyncadd.tile.s32 @!p0 $0x1;
	_ =	shalt  }
.Lfunc_end2:
_tile_overlayer_lowered:
.L_overlay_start_2:
0x9c: {  	(tag) =	ssettag $0x2  }
0x9d: {  	s0 =	rddreg [dreg:$0x0];
	s2 =	stileid.u32  }
0x9e: {  	s1 =	rddreg [dreg:$0x1];
	p0 =	sne.s32 s2, $0x0  }
0x9f: {  	s3 =	rddreg [dreg:$0x2];
	[bflag:$0x3] =	sbarrier.arrive $0xFFFF;
	s2 =	simm.s32 @!p0 $0x1C06  }
0xa0: {  	[timem:s3], [sflag:s2] =	dma.local @!p0 [hbm:s0], s1  }
0xa1: {  	s0 =	simm.s32 @!p0 $0x6  }
0xa2: {  	_ =	swait.ge @!p0 [sflag:s0], s1  }
0xa3: {  	s1 =	ssub.s32 @!p0 $0x0, s1;
	[sflag:s0] =	ssyncset.done @!p0 $0x0  }
0xa4: {  	[sflag:s0] =	ssyncadd.s32 @!p0 s1  }
0xa5: {  	[bflag:$0x3] =	sbarrier.arrive $0xFFFF  }
0xa6: {  	_ =	shalt  }

// kernel: word_half.3.cloned.1.call-start
scs
__scs_entry_jumppad:
0x0: {  	(pc) =	sbr.rel $0x88, $3  }
0x1: {  	(tag) =	ssettag $0x0;
	lr =	simm.s32 $0x1  }
0x2: {  	[smem:$0x3F9D] =	sst lr;
	_ =	strace $0xD0000000  }
0x3: {  	_ = 	snop  }
0x4: {  	_ = 	snop  }
0x5: {  	_ = 	snop  }
0x6: {  	_ = 	snop  }
0x7: {  	_ = 	snop  }
__scs_overlays_trampoline_lowered:
0x8: {  	[smem:$0x3FAC] =	sst s0  }
0x9: {  	[smem:$0x3FAD] =	sst s1  }
0xa: {  	[smem:$0x3FAE] =	sst s2  }
0xb: {  	[smem:$0x3FAF] =	sst s3  }
0xc: {  	[smem:$0x3FB0] =	sst s4  }
0xd: {  	[smem:$0x3FB1] =	sst s5  }
0xe: {  	[smem:$0x3FB2] =	sst s6  }
0xf: {  	[smem:$0x3FB3] =	sst s7  }
0x10: {  	[smem:$0x3FB4] =	sst s8  }
0x11: {  	[smem:$0x3FB5] =	sst s9;
	s0 =	simm.s32 @!p0 $0x0  }
0x12: {  	s1 =	sld [smem:$0x3F9B];
	s0 =	simm.s32 @p0 $0x1  }
0x13: {  	[smem:$0x3FB6] =	sst s0;
	s0 =	simm.s32 @!p1 $0x0  }
0x14: {  	s2 =	sld [smem:$0x3F9A];
	s0 =	simm.s32 @p1 $0x1  }
0x15: {  	[smem:$0x3FB7] =	sst s0;
	s0 =	simm.s32 @!p2 $0x0  }
0x16: {  	s3 =	sld [smem:$0x3FDB];
	s0 =	simm.s32 @p2 $0x1  }
0x17: {  	s4 =	simm.s32 $0x1BF5;
	[smem:$0x3FB9] =	sst s0  }
0x18: {  	s0 =	sld [smem:$0x3F9C];
	_ =	swait.ge [sflag:s4], $0x0  }
0x19: {  	s7 =	sld [smem:$0x3F9D]  }
0x1a: {  	s8 =	sadd.s32 $0xFFFFE003, lr  }
0x1b: {  	s9 =	sadd.s32 $0xFFFFFEF7, lr;
	s5 =	simm.s32 $0xFFFFFFFF;
	p2 =	slt.u32 s8, $0xFFFFF086  }
0x1c: {  	p1 =	slt.u32 s9, $0xF7A;
	s5 =	simm.s32 @!p2 $0x0  }
0x1d: {  	s5 =	simm.s32 @p1 $0x1;
	p0 =	seq.s32 s7, s2  }
0x1e: {  	s7 =	smul.u32 @!p0 $0xF7A, s2;
	p2 =	seq.s32 @!p0 s5, $0x0  }
0x1f: {  	s9 =	smul.u32 $0xF7A, s1;
	s8 =	simm.s32 @!p0 $0x1BF5;
	p2 =	por !p2, p0  }
0x20: {  	[sflag:s8] =	ssyncset.s32 @!p0 $0xFFFFF086;
	s6 =	sadd.s32 @!p0 s3, s7;
	s7 =	simm.s32 @!p0 $0x108  }
0x21: {  	s3 =	sadd.s32 s3, s9;
	s6 =	sadd.s32 @!p0 $0x88, s6;
	s7 =	simm.s32 @p2 $0x1082  }
0x22: {  	[simem:s7], [sflag:s8] =	dma.local @!p0 [hbm:s6], $0xF7A  }
0x23: {  	s9 =	sor.u32 $0xD0000000, s2;
	s6 =	simm.s32 $0x108;
	_ =	swait.ge @!p0 [sflag:s8], $0x0  }
0x24: {  	s3 =	sadd.s32 $0x88, s3;
	s6 =	simm.s32 @!p1 $0x1082;
	[sflag:s4] =	ssyncset.s32 $0xFFFFF086  }
0x25: {  	[simem:s6], [sflag:s4] =	dma.local [hbm:s3], $0xF7A  }
0x26: {  	[smem:$0x3F9D] =	sst s1;
	(tag) =	ssettag s2;
	_ =	strace s9  }
0x27: {  	s1 =	sld [smem:$0x3FAD]  }
0x28: {  	s2 =	sld [smem:$0x3FAE]  }
0x29: {  	s4 =	sld [smem:$0x3FB0]  }
0x2a: {  	p0 =	seq.s32 s5, $0x0;
	s5 =	sld [smem:$0x3FB1]  }
0x2b: {  	s6 =	sld [smem:$0x3FB2]  }
0x2c: {  	s7 =	sld [smem:$0x3FB3]  }
0x2d: {  	s3 =	simm.s32 $0x108;
	s8 =	sld [smem:$0x3FB4]  }
0x2e: {  	s3 =	simm.s32 @!p0 $0x1082;
	s9 =	sld [smem:$0x3FB5]  }
0x2f: {  	lr =	sadd.s32 s0, s3;
	s0 =	sld [smem:$0x3FAC]  }
0x30: {  	s3 =	sld [smem:$0x3FAF]  }
0x31: {  	[smem:$0x3FB8] =	sst s10  }
0x32: {  	s10 =	sld [smem:$0x3FB6];
	_ =	sdelay $0x3  }
0x33: {  	p0 =	seq.s32 s10, $0x1;
	s10 =	sld [smem:$0x3FB8];
	_ =	sdelay $0x3  }
0x34: {  	[smem:$0x3FB8] =	sst s10  }
0x35: {  	s10 =	sld [smem:$0x3FB7];
	_ =	sdelay $0x3  }
0x36: {  	p1 =	seq.s32 s10, $0x1;
	s10 =	sld [smem:$0x3FB8];
	_ =	sdelay $0x3  }
0x37: {  	[smem:$0x3FB8] =	sst s10  }
0x38: {  	s10 =	sld [smem:$0x3FB9]  }
0x39: {  	_ = 	snop;
	(pc) =	sbr.ind lr, $3  }
0x3a: {  	_ = 	snop  }
0x3b: {  	_ = 	snop  }
0x3c: {  	p2 =	seq.s32 s10, $0x1;
	s10 =	sld [smem:$0x3FB8]  }
0x3d: {  	_ =	shalt  }
0x3e: {  	_ =	shalt  }
0x3f: {  	_ =	shalt  }
0x40: {  	_ =	shalt  }
0x41: {  	_ =	shalt  }
0x42: {  	_ =	shalt  }
0x43: {  	_ =	shalt  }
0x44: {  	_ =	shalt  }
0x45: {  	_ =	shalt  }
0x46: {  	_ =	shalt  }
0x47: {  	_ =	shalt  }
0x48: {  	_ =	shalt  }
0x49: {  	_ =	shalt  }
0x4a: {  	_ =	shalt  }
0x4b: {  	_ =	shalt  }
0x4c: {  	_ =	shalt  }
0x4d: {  	_ =	shalt  }
0x4e: {  	_ =	shalt  }
0x4f: {  	_ =	shalt  }
0x50: {  	_ =	shalt  }
0x51: {  	_ =	shalt  }
0x52: {  	_ =	shalt  }
0x53: {  	_ =	shalt  }
0x54: {  	_ =	shalt  }
0x55: {  	_ =	shalt  }
0x56: {  	_ =	shalt  }
0x57: {  	_ =	shalt  }
0x58: {  	_ =	shalt  }
0x59: {  	_ =	shalt  }
0x5a: {  	_ =	shalt  }
0x5b: {  	_ =	shalt  }
0x5c: {  	_ =	shalt  }
0x5d: {  	_ =	shalt  }
0x5e: {  	_ =	shalt  }
0x5f: {  	_ =	shalt  }
0x60: {  	_ =	shalt  }
0x61: {  	_ =	shalt  }
0x62: {  	_ =	shalt  }
0x63: {  	_ =	shalt  }
0x64: {  	_ =	shalt  }
0x65: {  	_ =	shalt  }
0x66: {  	_ =	shalt  }
0x67: {  	_ =	shalt  }
0x68: {  	_ =	shalt  }
0x69: {  	_ =	shalt  }
0x6a: {  	_ =	shalt  }
0x6b: {  	_ =	shalt  }
0x6c: {  	_ =	shalt  }
0x6d: {  	_ =	shalt  }
0x6e: {  	_ =	shalt  }
0x6f: {  	_ =	shalt  }
0x70: {  	_ =	shalt  }
0x71: {  	_ =	shalt  }
0x72: {  	_ =	shalt  }
0x73: {  	_ =	shalt  }
0x74: {  	_ =	shalt  }
0x75: {  	_ =	shalt  }
0x76: {  	_ =	shalt  }
0x77: {  	_ =	shalt  }
0x78: {  	_ =	shalt  }
0x79: {  	_ =	shalt  }
0x7a: {  	_ =	shalt  }
0x7b: {  	_ =	shalt  }
0x7c: {  	_ =	shalt  }
0x7d: {  	_ =	shalt  }
0x7e: {  	_ =	shalt  }
0x7f: {  	_ =	shalt  }
0x80: {  	_ =	shalt  }
0x81: {  	_ =	shalt  }
0x82: {  	_ =	shalt  }
0x83: {  	_ =	shalt  }
0x84: {  	_ =	shalt  }
0x85: {  	_ =	shalt  }
0x86: {  	_ =	shalt  }
0x87: {  	_ =	shalt  }
.Lfunc_end0:
.L_simem_size_0:
called_computation.1_lowered:
.L_overlay_start_0:
0x88: {  	s2 =	sld [smem:$0x3FD9]  }
0x89: {  	s3 =	sld [smem:$0x3FFE];
	_ =	sdelay $0x1  }
0x8a: {  	s1 =	srdreg.scid  }
0x8b: {  	s0 =	sand.u32 $0x1, s1  }
0x8c: {  	s17 =	sshll.u32 s0, $0xA;
	s2 =	sadd.s32 s3, s2  }
0x8d: {  	s2 =	sadd.s32 s2, s17  }
0x8e: {  	[smem:$0x3FC4] =	sst s2  }
0x8f: {  	_ = 	snop  }
0x90: {  	s2 =	sld [smem:$0x3FD0];
	(tm) =	ssettm $0x1  }
0x91: {  	s18 =	sld [smem:$0x3FFB];
	_ =	sdelay $0x3  }
0x92: {  	_ =	strace s18  }
0x93: {  	s3 =	sld [smem:$0x3FFC];
	_ =	sdelay $0x3  }
0x94: {  	_ =	strace s3  }
0x95: {  	s3 =	sld [smem:$0x3FFD];
	_ =	sdelay $0x3  }
0x96: {  	_ =	strace s3  }
0x97: {  	_ =	strace $0x8FFFFFFF  }
0x98: {  	s19 =	sld [smem:$0x3FDB];
	_ =	sdelay $0x1  }
0x99: {  	s4 =	simm.s32 $_scs_section_size  }
0x9a: {  	s5 =	simm.s32 $_size__tile_overlayer_lowered;
	s6 =	simm.s32 $_tile_overlayer_lowered  }
0x9b: {  	s22 =	simm.s32 $0x1BFF;
	s21 =	sshll.u32 s6, $0x1;
	s3 =	sadd.s32 s4, s19  }
0x9c: {  	s7 =	simm.s32 $0x0;
	s20 =	sshll.u32 s5, $0x1;
	s5 =	sadd.s32 s21, s3  }
0x9d: {  	[timem:s7], [sflag:s22] =	dma.local [hbm:s5], s20  }
0x9e: {  	_ =	swait.ge [sflag:s22], s20  }
0x9f: {  	s4 =	ssub.s32 $0x0, s20;
	[sflag:s22] =	ssyncset.done $0x0  }
0xa0: {  	[sflag:s22] =	ssyncadd.s32 s4;
	_ =	sdelay $0x1  }
0xa1: {  	s23 =	simm.s32 $0x1B8B  }
0xa2: {  	_ =	swait.ge [sflag:s23], $0x1  }
0xa3: {  	[sflag:s23] =	ssyncset.done $0x0  }
0xa4: {  	s25 =	simm.s32 $0x1B8E;
	s24 =	sld [smem:$0x3FFE];
	[sflag:s23] =	ssyncadd.s32 $0xFFFFFFFF  }
0xa5: {  	s26 =	simm.s32 $execute0_lowered;
	[smem:$0x3FD2] =	sst s25  }
0xa6: {  	s5 =	sshll.u32 s26, $0x1;
	_ =	strace $0x80000049;
	[dreg:$0x1] =	wrdreg $0xFFFFFFFF  }
0xa7: {  	s28 =	simm.s32 $_size_execute0_lowered;
	s3 =	sadd.s32 s3, s5;
	[dreg:$0x0] =	wrdreg $0x0  }
0xa8: {  	s5 =	sshll.u32 s28, $0x1;
	[dreg:$0x2] =	wrdreg s3  }
0xa9: {  	[dreg:$0x3] =	wrdreg s5  }
0xaa: {  	[dreg:$0x4] =	wrdreg $0xC0  }
0xab: {  	_ =	task [dreg:s7], $0x5FFFF  }
0xac: {  	[dreg:$0x1] =	wrdreg $0xFFFFFFFF  }
0xad: {  	[dreg:$0x0] =	wrdreg $0x60  }
0xae: {  	[dreg:$0x2] =	wrdreg s24  }
0xaf: {  	[dreg:$0x3] =	wrdreg s2  }
0xb0: {  	[dreg:$0x4] =	wrdreg $0x9  }
0xb1: {  	_ =	task.clear_ibuf [dreg:s7], $0x5FFFF;
	_ =	strace $0x90000049  }
0xb2: {  	s29 =	simm.s32 $0x9;
	_ =	strace $0x8000004B  }
0xb3: {  	_ =	swait.ge [sflag:s29], $0x1  }
0xb4: {  	[sflag:s29] =	ssyncadd.s32 $0xFFFFFFFF  }
0xb5: {  	_ =	strace $0x9000004B  }
0xb6: {  	_ =	sfence  }
0xb7: {  	s30 =	sld [smem:$0x0];
	_ =	sdelay $0x2  }
0xb8: {  	s31 =	sshll.u32 s1, $0xD;
	s1 =	sshrl.u32 s1, $0x2  }
0xb9: {  	s3 =	sand.u32 $0x4000, s31;
	s1 =	sadd.s32 s1, s30  }
0xba: {  	s0 =	sor.u32 s3, s0;
	s1 =	sshll.u32 s1, $0x11  }
0xbb: {  	s0 =	sor.u32 s1, s0  }
0xbc: {  	s0 =	sadd.s32 $0x8F2B, s0  }
0xbd: {  	[sflag:s0] =	ssyncadd.remote.s32 $0x1  }
0xbe: {  	_ =	sfence.sel $0xFFFF  }
0xbf: {  	[dreg:$0x0] =	wrdreg $0xFFFFFFFF;
	(pc) =	sbr.abs _section_cstart, $3  }
0xc0: {  	[dreg:$0x1] =	wrdreg $0xFFFFFFFF  }
0xc1: {  	_ =	task.clear_ibuf [dreg:s7], $0x2FFFF;
	_ =	strace $0x9FFFFFFF  }
0xc2: {  	(tm) =	ssettm $0x7FFFFFFF  }
0xc3: {  	_ =	shalt  }
tec
execute0_lowered:
.L_overlay_start_1:
0x0: {  	(tag) =	ssettag $0x1  }
0x1: {  	s0 =	srdreg.scid;
	s3 =	rddreg [dreg:$0x0]  }
0x2: {  	s8 =	stileid.u32;
	s5 =	rddreg [dreg:$0x1]  }
0x3: {  	s2 =	simm.s32 $0x0;
	s11 =	simm.s32 $0x80;
	s12 =	simm.s32 $0x400  }
0x4: {  	s31 =	simm.s32 $0x2400;
	s13 =	simm.s32 $0x100;
	s14 =	simm.s32 $0x4400  }
0x5: {  	s15 =	simm.s32 $0x180;
	s16 =	simm.s32 $0x6400;
	s17 =	simm.s32 $0x3  }
0x6: {  	s18 =	simm.s32 $0x40;
	s19 =	simm.s32 $0x2;
	s20 =	simm.s32 $0x8400  }
0x7: {  	s21 =	simm.s32 $0x280;
	s22 =	simm.s32 $0xA400;
	s29 =	simm.s32 $0x5  }
0x8: {  	s30 =	simm.s32 $0x0;
	s0 =	sand.u32 $0x1, s0;
	s6 =	smul.u32 $0x640000, s8  }
0x9: {  	s1 =	sshll.u32 s8, $0x1;
	[smem:$0x7FF] =	sst s2;
	s8 =	smul.u32 $0x190, s8  }
0xa: {  	s10 =	sadd.s32 $0x39A00, s3;
	s3 =	sadd.s32 $0x52A00, s3;
	s7 =	smul.u32 $0x320000, s0  }
0xb: {  	s1 =	sor.u32 s0, s1;
	s4 =	ssub.s32 $0x2, s0;
	s0 =	smul.u32 $0xC8, s0  }
0xc: {  	_ =	strace $0x8000004A;
	s1 =	smul.u32 $0xC80, s1;
	s9 =	sshrl.u32 s4, $0x1  }
0xd: {  	[dreg:$0x5] =	wrdreg s31;
	s9 =	ssub.s32 s4, s9;
	s24 =	sadd.s32 s7, s6  }
0xe: {  	s0 =	sadd.s32 s0, s8;
	s23 =	sadd.s32 s10, s1;
	s1 =	sshrl.u32 s24, $0x3  }
0xf: {  	s25 =	sshll.u32 s0, $0xB;
	s0 =	sshll.u32 s0, $0x4;
	s28 =	smax.u32 s9, $0x1  }
0x10: {  	s9 =	simm.s32 $0x200;
	s24 =	simm.s32 $0xC400;
	[dreg:$0x6] =	wrdreg s23  }
0x11: {  	s4 =	sadd.s32 $0x40, s23;
	s1 =	sadd.s32 s1, s5;
	s5 =	sadd.s32 s25, s5  }
0x12: {  	s0 =	sadd.s32 s10, s0;
	[dreg:$0x8] =	wrdreg s28;
	s10 =	simm.s32 $0x1  }
0x13: {  	s23 =	simm.s32 $0x300;
	s25 =	simm.s32 $0x380;
	[dreg:$0x7] =	wrdreg s4  }
0x14: {  	[dreg:$0x3] =	wrdreg s1;
	s26 =	sadd.s32 $0x2000, s5;
	s7 =	sadd.s32 $0xC0, s0  }
0x15: {  	s8 =	sadd.s32 $0x80, s0;
	[dreg:$0x4] =	wrdreg s26;
	s26 =	simm.s32 $0xE400  }
.LBB2_1:
0x16: {  	s0 =	rddreg [dreg:$0x6]  }
0x17: {  	[tilespmem:s2], [sflag:$0x1] =	stream.linear.gather [hbm4b:s0+s2], $0x200, $0x38;
	[tilespmem:$0x10400] =	vst v63  }
0x18: {  	s4 =	rddreg [dreg:$0x7]  }
0x19: {  	[tilespmem:s9], [sflag:$0x2] =	stream.linear.gather [hbm4b:s4+s2], $0x200, $0x38;
	[tilespmem:$0x10400] =	vst v63  }
0x1a: {  	_ =	swait.ge [sflag:s10], $0x200  }
0x1b: {  	p0 =	por $0x1, $0x1;
	[sflag:s10] =	ssyncset.done $0x0  }
0x1c: {  	s0 =	simm.s32 @!p0 $0x4;
	[sflag:s10] =	ssyncadd.s32 $0xFFFFFE00  }
0x1d: {  	_ =	swait.ge @!p0 [sflag:s0], $0x8000  }
0x1e: {  	[sflag:s0] =	ssyncset.done @!p0 $0x0  }
0x1f: {  	[sflag:s0] =	ssyncadd.s32 @!p0 $0xFFFF8000  }
0x20: {  	[tilespmem:s12], [sflag:$0x3] =	stream.indirect.gather [hbm4b:s3+s11], $0x40, s2, s11, $0xb8;
	[tilespmem:$0x10400] =	vst v63  }
0x21: {  	s5 =	rddreg [dreg:$0x5]  }
0x22: {  	[tilespmem:s5], [sflag:$0x3] =	stream.indirect.gather [hbm4b:s3+s11], $0x40, s11, s11, $0xb8;
	[tilespmem:$0x10400] =	vst v63  }
0x23: {  	_ = 	snop  }
0x24: {  	[tilespmem:s14], [sflag:$0x3] =	stream.indirect.gather [hbm4b:s3+s11], $0x40, s13, s11, $0xb8;
	[tilespmem:$0x10400] =	vst v63  }
0x25: {  	_ = 	snop  }
0x26: {  	[tilespmem:s16], [sflag:$0x3] =	stream.indirect.gather [hbm4b:s3+s11], $0x40, s15, s11, $0xb8;
	[tilespmem:$0x10400] =	vst v63  }
0x27: {  	_ =	swait.ge [sflag:s17], $0x2000  }
0x28: {  	[sflag:s17] =	ssyncset.done $0x0  }
0x29: {  	[sflag:s17] =	ssyncadd.s32 $0xFFFFE000  }
0x2a: {  	_ =	swait.ge [sflag:s17], $0x2000  }
0x2b: {  	[sflag:s17] =	ssyncset.done $0x0  }
0x2c: {  	[sflag:s17] =	ssyncadd.s32 $0xFFFFE000  }
0x2d: {  	_ =	swait.ge [sflag:s17], $0x2000  }
0x2e: {  	[sflag:s17] =	ssyncset.done $0x0  }
0x2f: {  	[sflag:s17] =	ssyncadd.s32 $0xFFFFE000  }
0x30: {  	_ =	swait.ge [sflag:s17], $0x2000  }
0x31: {  	p1 =	por $0x0, $0x0;
	[sflag:s17] =	ssyncset.done $0x0  }
0x32: {  	s1 =	simm.s32 @!p1 $0x0;
	s6 =	rddreg [dreg:$0x3];
	[sflag:s17] =	ssyncadd.s32 $0xFFFFE000  }
0x33: {  	[tilespmem:s1], [sflag:$0x1] =	stream.linear.gather @!p1 [hbm4b:s8+s1], $0x200, $0x38;
	[tilespmem:$0x10400] =	vst v63  }
0x34: {  	s0 =	sadd.s32 $0x0, s6  }
0x35: {  	[hbm4b:s0+s18] =	stream.strided.scatter [tilespmem:s12], [sflag:$0x4], $0x8000, s11, s18, $0x38;
	[tilespmem:$0x10400] =	vst v63  }
0x36: {  	_ =	swait.ge [sflag:s19], $0x200  }
0x37: {  	[sflag:s19] =	ssyncset.done $0x0  }
0x38: {  	s0 =	simm.s32 @!p0 $0x5;
	[sflag:s19] =	ssyncadd.s32 $0xFFFFFE00  }
0x39: {  	_ =	swait.ge @!p0 [sflag:s0], $0x8000  }
0x3a: {  	[sflag:s0] =	ssyncset.done @!p0 $0x0  }
0x3b: {  	[sflag:s0] =	ssyncadd.s32 @!p0 $0xFFFF8000  }
0x3c: {  	[tilespmem:s20], [sflag:$0x3] =	stream.indirect.gather [hbm4b:s3+s11], $0x40, s9, s11, $0xb8;
	[tilespmem:$0x10400] =	vst v63  }
0x3d: {  	_ = 	snop  }
0x3e: {  	[tilespmem:s22], [sflag:$0x3] =	stream.indirect.gather [hbm4b:s3+s11], $0x40, s21, s11, $0xb8;
	[tilespmem:$0x10400] =	vst v63  }
0x3f: {  	_ = 	snop  }
0x40: {  	[tilespmem:s24], [sflag:$0x3] =	stream.indirect.gather [hbm4b:s3+s11], $0x40, s23, s11, $0xb8;
	[tilespmem:$0x10400] =	vst v63  }
0x41: {  	_ = 	snop  }
0x42: {  	[tilespmem:s26], [sflag:$0x3] =	stream.indirect.gather [hbm4b:s3+s11], $0x40, s25, s11, $0xb8;
	[tilespmem:$0x10400] =	vst v63  }
0x43: {  	_ =	swait.ge [sflag:s17], $0x2000  }
0x44: {  	[sflag:s17] =	ssyncset.done $0x0  }
0x45: {  	[sflag:s17] =	ssyncadd.s32 $0xFFFFE000  }
0x46: {  	_ =	swait.ge [sflag:s17], $0x2000  }
0x47: {  	[sflag:s17] =	ssyncset.done $0x0  }
0x48: {  	[sflag:s17] =	ssyncadd.s32 $0xFFFFE000  }
0x49: {  	_ =	swait.ge [sflag:s17], $0x2000  }
0x4a: {  	[sflag:s17] =	ssyncset.done $0x0  }
0x4b: {  	[sflag:s17] =	ssyncadd.s32 $0xFFFFE000  }
0x4c: {  	_ =	swait.ge [sflag:s17], $0x2000  }
0x4d: {  	s31 =	simm.s32 $0x4000;
	[sflag:s17] =	ssyncset.done $0x0  }
0x4e: {  	s5 =	simm.s32 @!p1 $0x200;
	s28 =	rddreg [dreg:$0x4];
	[sflag:s17] =	ssyncadd.s32 $0xFFFFE000  }
0x4f: {  	[tilespmem:s5], [sflag:$0x2] =	stream.linear.gather @!p1 [hbm4b:s7+s1], $0x200, $0x38;
	[tilespmem:$0x10400] =	vst v63  }
0x50: {  	s0 =	sadd.s32 $0x80, s8;
	s5 =	sadd.s32 $0x0, s28;
	s1 =	sadd.s32 $0x80, s7  }
.LBB2_2:
0x51: {  	[hbm4b:s5+s18] =	stream.strided.scatter [tilespmem:s20], [sflag:$0x5], $0x8000, s11, s18, $0x38;
	[tilespmem:$0x10400] =	vst v63  }
0x52: {  	s5 =	smov.u32 s31;
	_ =	swait.ge [sflag:s10], $0x200  }
0x53: {  	p1 =	seq.s32 s5, $0x0;
	[sflag:s10] =	ssyncset.done $0x0  }
0x54: {  	s4 =	simm.s32 @!p1 $0x4;
	[sflag:s10] =	ssyncadd.s32 $0xFFFFFE00  }
0x55: {  	_ =	swait.ge @!p1 [sflag:s4], $0x8000  }
0x56: {  	[sflag:s4] =	ssyncset.done @!p1 $0x0  }
0x57: {  	[sflag:s4] =	ssyncadd.s32 @!p1 $0xFFFF8000  }
0x58: {  	[tilespmem:s12], [sflag:$0x3] =	stream.indirect.gather [hbm4b:s3+s11], $0x40, s2, s11, $0xb8;
	[tilespmem:$0x10400] =	vst v63  }
0x59: {  	s6 =	rddreg [dreg:$0x5]  }
0x5a: {  	[tilespmem:s6], [sflag:$0x3] =	stream.indirect.gather [hbm4b:s3+s11], $0x40, s11, s11, $0xb8;
	[tilespmem:$0x10400] =	vst v63  }
0x5b: {  	_ = 	snop  }
0x5c: {  	[tilespmem:s14], [sflag:$0x3] =	stream.indirect.gather [hbm4b:s3+s11], $0x40, s13, s11, $0xb8;
	[tilespmem:$0x10400] =	vst v63  }
0x5d: {  	_ = 	snop  }
0x5e: {  	[tilespmem:s16], [sflag:$0x3] =	stream.indirect.gather [hbm4b:s3+s11], $0x40, s15, s11, $0xb8;
	[tilespmem:$0x10400] =	vst v63  }
0x5f: {  	_ =	swait.ge [sflag:s17], $0x2000  }
0x60: {  	[sflag:s17] =	ssyncset.done $0x0  }
0x61: {  	[sflag:s17] =	ssyncadd.s32 $0xFFFFE000  }
0x62: {  	_ =	swait.ge [sflag:s17], $0x2000  }
0x63: {  	[sflag:s17] =	ssyncset.done $0x0  }
0x64: {  	[sflag:s17] =	ssyncadd.s32 $0xFFFFE000  }
0x65: {  	_ =	swait.ge [sflag:s17], $0x2000  }
0x66: {  	[sflag:s17] =	ssyncset.done $0x0  }
0x67: {  	[sflag:s17] =	ssyncadd.s32 $0xFFFFE000  }
0x68: {  	_ =	swait.ge [sflag:s17], $0x2000  }
0x69: {  	p2 =	seq.s32 s5, $0x60000;
	[sflag:s17] =	ssyncset.done $0x0  }
0x6a: {  	s6 =	simm.s32 @!p2 $0x0;
	s28 =	rddreg [dreg:$0x3];
	[sflag:s17] =	ssyncadd.s32 $0xFFFFE000  }
0x6b: {  	[tilespmem:s6], [sflag:$0x1] =	stream.linear.gather @!p2 [hbm4b:s0+s6], $0x200, $0x38;
	[tilespmem:$0x10400] =	vst v63  }
0x6c: {  	s4 =	sadd.s32 s5, s28  }
0x6d: {  	[hbm4b:s4+s18] =	stream.strided.scatter [tilespmem:s12], [sflag:$0x4], $0x8000, s11, s18, $0x38;
	[tilespmem:$0x10400] =	vst v63  }
0x6e: {  	_ =	swait.ge [sflag:s19], $0x200  }
0x6f: {  	[sflag:s19] =	ssyncset.done $0x0  }
0x70: {  	s4 =	simm.s32 @!p1 $0x5;
	[sflag:s19] =	ssyncadd.s32 $0xFFFFFE00  }
0x71: {  	_ =	swait.ge @!p1 [sflag:s4], $0x8000  }
0x72: {  	[sflag:s4] =	ssyncset.done @!p1 $0x0  }
0x73: {  	[sflag:s4] =	ssyncadd.s32 @!p1 $0xFFFF8000  }
0x74: {  	[tilespmem:s20], [sflag:$0x3] =	stream.indirect.gather [hbm4b:s3+s11], $0x40, s9, s11, $0xb8;
	[tilespmem:$0x10400] =	vst v63  }
0x75: {  	_ = 	snop  }
0x76: {  	[tilespmem:s22], [sflag:$0x3] =	stream.indirect.gather [hbm4b:s3+s11], $0x40, s21, s11, $0xb8;
	[tilespmem:$0x10400] =	vst v63  }
0x77: {  	_ = 	snop  }
0x78: {  	[tilespmem:s24], [sflag:$0x3] =	stream.indirect.gather [hbm4b:s3+s11], $0x40, s23, s11, $0xb8;
	[tilespmem:$0x10400] =	vst v63  }
0x79: {  	_ = 	snop  }
0x7a: {  	[tilespmem:s26], [sflag:$0x3] =	stream.indirect.gather [hbm4b:s3+s11], $0x40, s25, s11, $0xb8;
	[tilespmem:$0x10400] =	vst v63  }
0x7b: {  	_ =	swait.ge [sflag:s17], $0x2000  }
0x7c: {  	[sflag:s17] =	ssyncset.done $0x0  }
0x7d: {  	[sflag:s17] =	ssyncadd.s32 $0xFFFFE000  }
0x7e: {  	_ =	swait.ge [sflag:s17], $0x2000  }
0x7f: {  	[sflag:s17] =	ssyncset.done $0x0  }
0x80: {  	[sflag:s17] =	ssyncadd.s32 $0xFFFFE000  }
0x81: {  	_ =	swait.ge [sflag:s17], $0x2000  }
0x82: {  	s31 =	sadd.s32 $0x4000, s31;
	[sflag:s17] =	ssyncset.done $0x0  }
0x83: {  	p0 =	sne.s32 s31, $0x64000;
	[sflag:s17] =	ssyncadd.s32 $0xFFFFE000  }
.Ltmp0:
0x84: {  	_ =	swait.ge [sflag:s17], $0x2000;
	(pc) =	sbr.rel @p0 .LBB2_2-.Ltmp0, $4  }
0x85: {  	[sflag:s17] =	ssyncset.done $0x0  }
0x86: {  	s28 =	simm.s32 @!p2 $0x200;
	s4 =	rddreg [dreg:$0x4];
	[sflag:s17] =	ssyncadd.s32 $0xFFFFE000  }
0x87: {  	[tilespmem:s28], [sflag:$0x2] =	stream.linear.gather @!p2 [hbm4b:s1+s6], $0x200, $0x38;
	[tilespmem:$0x10400] =	vst v63  }
0x88: {  	s0 =	sadd.s32 $0x80, s0;
	s5 =	sadd.s32 s5, s4;
	s1 =	sadd.s32 $0x80, s1  }
0x89: {  	[hbm4b:s5+s18] =	stream.strided.scatter [tilespmem:s20], [sflag:$0x5], $0x8000, s11, s18, $0x38;
	[tilespmem:$0x10400] =	vst v63  }
0x8a: {  	s0 =	simm.s32 $0x4  }
0x8b: {  	_ =	swait.ge [sflag:s0], $0x8000  }
0x8c: {  	[sflag:s0] =	ssyncset.done $0x0  }
0x8d: {  	[sflag:s0] =	ssyncadd.s32 $0xFFFF8000  }
0x8e: {  	_ =	swait.ge [sflag:s29], $0x8000  }
0x8f: {  	s30 =	sadd.s32 $0x1, s30;
	s31 =	rddreg [dreg:$0x8]  }
0x90: {  	p0 =	sne.s32 s30, s31  }
.Ltmp1:
0x91: {  	_ = 	snop;
	(pc) =	sbr.rel @p0 .LBB2_1-.Ltmp1, $3  }
0x92: {  	_ =	sdelay $0x1  }
0x93: {  	[sflag:s29] =	ssyncset.done $0x0  }
0x94: {  	[sflag:s29] =	ssyncadd.s32 $0xFFFF8000  }
0x95: {  	_ =	sfence.sel $0x180000  }
0x96: {  	[bflag:$0x0] =	sbarrier.arrive $0xFFFF  }
0x97: {  	_ =	strace $0x9000004A  }
0x98: {  	s0 =	stileid.u32;
	[bflag:$0x2] =	sbarrier.arrive $0xFFFF  }
0x99: {  	p0 =	sne.s32 s0, $0x0;
	s0 =	rddreg [dreg:$0x2]  }
0x9a: {  	s0 =	sadd.s32 @!p0 $0x100000, s0  }
0x9b: {  	[sflag:s0] =	ssyncadd.tile.s32 @!p0 $0x1;
	_ =	shalt  }
.Lfunc_end2:
_tile_overlayer_lowered:
.L_overlay_start_2:
0x9c: {  	(tag) =	ssettag $0x2  }
0x9d: {  	s0 =	rddreg [dreg:$0x0];
	s2 =	stileid.u32  }
0x9e: {  	s1 =	rddreg [dreg:$0x1];
	p0 =	sne.s32 s2, $0x0  }
0x9f: {  	s3 =	rddreg [dreg:$0x2];
	[bflag:$0x3] =	sbarrier.arrive $0xFFFF;
	s2 =	simm.s32 @!p0 $0x1C06  }
0xa0: {  	[timem:s3], [sflag:s2] =	dma.local @!p0 [hbm:s0], s1  }
0xa1: {  	s0 =	simm.s32 @!p0 $0x6  }
0xa2: {  	_ =	swait.ge @!p0 [sflag:s0], s1  }
0xa3: {  	s1 =	ssub.s32 @!p0 $0x0, s1;
	[sflag:s0] =	ssyncset.done @!p0 $0x0  }
0xa4: {  	[sflag:s0] =	ssyncadd.s32 @!p0 s1  }
0xa5: {  	[bflag:$0x3] =	sbarrier.arrive $0xFFFF  }
0xa6: {  	_ =	shalt  }

</sc_bundles>
